<compile_context>
chip_gen: v7x
topology: tpu7x:2x2x1
jax: 0.10.2.dev20260603
libtpu: 0.0.44.dev20260713+nightly
codegen_flags: <defaults>
</compile_context>

<pallas_src>
import functools

import jax
import jax.numpy as jnp
from jax import lax
from jax.experimental import pallas as pl
from jax.experimental.pallas import tpu as pltpu
from jax.experimental.pallas import tpu_sc as plsc

N = 10000
NP = 10240
E = 320000
NC, NS = 2, 16
NW = NC * NS
EPW = E // NW
CH = 80
NITER = EPW // CH
RPT = NP // NS
R = 1000
GRID = N // R

_MESH = dict(core_axis_name="c", subcore_axis_name="s", num_cores=NC,
             num_subcores=NS)



@functools.partial(
    pl.kernel,
    out_type=jax.ShapeDtypeStruct((NC, NP), jnp.float32),
    mesh=plsc.VectorSubcoreMesh(**_MESH),
    scratch_types=[
        pltpu.VMEM((CH,), jnp.int32),
        pltpu.VMEM((CH,), jnp.float32),
        pltpu.VMEM((RPT,), jnp.float32),
        pltpu.VMEM_SHARED((NP,), jnp.float32),
    ],
)
def _deg_kernel(dst_hbm, out_hbm, dst_v, ones_v, zeros_v, acc):
    c = lax.axis_index("c")
    s = lax.axis_index("s")
    wid = s * NC + c
    one16 = jnp.ones((16,), jnp.float32)
    zero16 = jnp.zeros((16,), jnp.float32)

    def fill_ones(i, carry):
        ones_v[pl.ds(i * 16, 16)] = one16
        return carry

    lax.fori_loop(0, CH // 16, fill_ones, 0)

    def fill_zeros(i, carry):
        zeros_v[pl.ds(i * 16, 16)] = zero16
        return carry

    lax.fori_loop(0, RPT // 16, fill_zeros, 0)
    pltpu.sync_copy(zeros_v, acc.at[pl.ds(s * RPT, RPT)])
    plsc.subcore_barrier()

    ebase = wid * EPW

    def body(j, carry):
        pltpu.sync_copy(dst_hbm.at[pl.ds(ebase + j * CH, CH)], dst_v)
        pltpu.sync_copy(ones_v, acc.at[dst_v], add=True)
        return carry

    lax.fori_loop(0, NITER, body, 0)
    plsc.subcore_barrier()
    pltpu.sync_copy(acc.at[pl.ds(s * RPT, RPT)],
                    out_hbm.at[c, pl.ds(s * RPT, RPT)])


def _make_agg(F):

    @functools.partial(
        pl.kernel,
        out_type=jax.ShapeDtypeStruct((NC, NP, F), jnp.float32),
        mesh=plsc.VectorSubcoreMesh(**_MESH),
        scratch_types=[
            pltpu.VMEM((CH,), jnp.int32),
            pltpu.VMEM((CH,), jnp.int32),
            pltpu.VMEM((CH, F), jnp.float32),
            pltpu.VMEM_SHARED((NP, F), jnp.float32),
        ],
    )
    def agg(p_hbm, src_hbm, dst_hbm, out_hbm, src_v, dst_v, rows_v, acc):
        c = lax.axis_index("c")
        s = lax.axis_index("s")
        wid = s * NC + c
        zero16 = jnp.zeros((16,), jnp.float32)

        def zrow(i, carry):
            for k2 in range(F // 16):
                rows_v[i, pl.ds(k2 * 16, 16)] = zero16
            return carry

        lax.fori_loop(0, CH, zrow, 0)
        for k2 in range(RPT // CH):
            pltpu.sync_copy(rows_v, acc.at[pl.ds(s * RPT + k2 * CH, CH)])
        plsc.subcore_barrier()

        ebase = wid * EPW

        def body(j, carry):
            b = ebase + j * CH
            pltpu.sync_copy(src_hbm.at[pl.ds(b, CH)], src_v)
            pltpu.sync_copy(dst_hbm.at[pl.ds(b, CH)], dst_v)
            pltpu.sync_copy(p_hbm.at[src_v], rows_v)
            pltpu.sync_copy(rows_v, acc.at[dst_v], add=True)
            return carry

        lax.fori_loop(0, NITER, body, 0)
        plsc.subcore_barrier()
        pltpu.sync_copy(acc.at[pl.ds(s * RPT, RPT)],
                        out_hbm.at[c, pl.ds(s * RPT, RPT)])

    return agg


_agg = _make_agg(128)



def _mm1_body(x_ref, w_ref, dmat_ref, o_ref):
    o_ref[:, :64] = (jnp.dot(x_ref[...], w_ref[...],
                             preferred_element_type=jnp.float32)
                     * dmat_ref[:, :64])
    o_ref[:, 64:] = jnp.zeros((R, 64), jnp.float32)


def _mid_body(s_ref, p1_ref, dmat_ref, b1_ref, w2_ref, o_ref):
    d64 = dmat_ref[:, :64]
    aggv = s_ref[0, :, :64] + s_ref[1, :, :64] + p1_ref[:, :64]
    h = jnp.maximum(aggv * d64 + b1_ref[...], 0.0)
    o_ref[...] = (jnp.dot(h, w2_ref[...], preferred_element_type=jnp.float32)
                  * dmat_ref[...])


def _out_body(s_ref, p2_ref, dmat_ref, b2_ref, o_ref):
    o_ref[...] = ((s_ref[0] + s_ref[1] + p2_ref[...]) * dmat_ref[...]
                  + b2_ref[...])


def _mm1(x, W1, dmat):
    return pl.pallas_call(
        _mm1_body,
        grid=(GRID,),
        in_specs=[
            pl.BlockSpec((R, 128), lambda j: (j, 0)),
            pl.BlockSpec((128, 64), lambda j: (0, 0)),
            pl.BlockSpec((R, 128), lambda j: (j, 0)),
        ],
        out_specs=pl.BlockSpec((R, 128), lambda j: (j, 0)),
        out_shape=jax.ShapeDtypeStruct((N, 128), jnp.float32),
    )(x, W1, dmat)


def _mid(s1, p1, dmat, b1, W2):
    return pl.pallas_call(
        _mid_body,
        grid=(GRID,),
        in_specs=[
            pl.BlockSpec((NC, R, 128), lambda j: (0, j, 0)),
            pl.BlockSpec((R, 128), lambda j: (j, 0)),
            pl.BlockSpec((R, 128), lambda j: (j, 0)),
            pl.BlockSpec((1, 64), lambda j: (0, 0)),
            pl.BlockSpec((64, 128), lambda j: (0, 0)),
        ],
        out_specs=pl.BlockSpec((R, 128), lambda j: (j, 0)),
        out_shape=jax.ShapeDtypeStruct((N, 128), jnp.float32),
    )(s1, p1, dmat, b1, W2)


def _outk(s2, p2, dmat, b2):
    return pl.pallas_call(
        _out_body,
        grid=(GRID,),
        in_specs=[
            pl.BlockSpec((NC, R, 128), lambda j: (0, j, 0)),
            pl.BlockSpec((R, 128), lambda j: (j, 0)),
            pl.BlockSpec((R, 128), lambda j: (j, 0)),
            pl.BlockSpec((1, 128), lambda j: (0, 0)),
        ],
        out_specs=pl.BlockSpec((R, 128), lambda j: (j, 0)),
        out_shape=jax.ShapeDtypeStruct((N, 128), jnp.float32),
    )(s2, p2, dmat, b2)



def kernel(x, edge_index, W1, b1, W2, b2):
    src = edge_index[0].astype(jnp.int32)
    dst = edge_index[1].astype(jnp.int32)
    deg_parts = _deg_kernel(dst)
    deg = deg_parts[0] + deg_parts[1] + 1.0
    dinv = lax.rsqrt(deg)
    dmat = jnp.broadcast_to(dinv[:, None], (NP, 128))
    p1 = _mm1(x, W1, dmat)
    s1 = _agg(p1, src, dst)
    p2 = _mid(s1, p1, dmat, b1.reshape(1, 64), W2)
    s2 = _agg(p2, src, dst)
    return _outk(s2, p2, dmat, b2.reshape(1, 128))

# --- scband reference (transcript-rebuilt; emitter-appended) ---
"""Pipeline reference for scband-gcn-43112881717445 (READ-ONLY COPY).

The authoritative reference and input builder live on the scoring server;
editing this copy changes nothing except your own understanding.
"""

import jax, jax.numpy as jnp
import numpy as np

N_NODES = 10000


def gcn_conv(x, edge_index, W, b):
    num_nodes = x.shape[0]
    src = edge_index[0]
    dst = edge_index[1]
    # add self loops (PyG GCNConv default)
    loop = jnp.arange(num_nodes, dtype=src.dtype)
    src = jnp.concatenate([src, loop])
    dst = jnp.concatenate([dst, loop])
    # symmetric normalization D^{-1/2} A_hat D^{-1/2}
    deg = jnp.zeros((num_nodes,), dtype=x.dtype).at[dst].add(1.0)
    deg_inv_sqrt = jnp.where(deg > 0, jax.lax.rsqrt(jnp.maximum(deg, 1e-12)), 0.0)
    norm = deg_inv_sqrt[src] * deg_inv_sqrt[dst]
    # linear transform then message passing (gather + scatter-add)
    h = x @ W
    msg = h[src] * norm[:, None]
    out = jnp.zeros((num_nodes, W.shape[1]), dtype=x.dtype).at[dst].add(msg)
    return out + b


def setup_inputs(seed: int = 0) -> dict:
    key = jax.random.key(seed)
    k1, k2, k3, k4, k5, k6 = jax.random.split(key, 6)
    x = jax.random.normal(k1, (N_NODES, 128), dtype=jnp.float32)
    edge_index = jax.random.randint(k2, (2, 320000), 0, N_NODES, dtype=jnp.int64)
    # conv1: 128 -> 64 ; conv2: 64 -> 128 (out_channels)
    W1 = jax.random.normal(k3, (128, 64), dtype=jnp.float32) * (1.0 / np.sqrt(128))
    b1 = jnp.zeros((64,), dtype=jnp.float32)
    W2 = jax.random.normal(k4, (64, 128), dtype=jnp.float32) * (1.0 / np.sqrt(64))
    b2 = jnp.zeros((128,), dtype=jnp.float32)
    return {"x": x, "edge_index": edge_index, "W1": W1, "b1": b1, "W2": W2, "b2": b2}


def reference(x, edge_index, W1, b1, W2, b2):
    h = gcn_conv(x, edge_index, W1, b1)
    h = jax.nn.relu(h)
    out = gcn_conv(h, edge_index, W2, b2)
    return out

if __name__ == "__main__":
    import jax
    _d = setup_inputs()
    print(jax.jit(kernel)(*tuple(_d.values())))

</pallas_src>

<mosaic_0001>
#map = affine_map<(d0, d1) -> (0, 0)>
#map1 = affine_map<(d0, d1) -> (0)>
#map2 = affine_map<(d0, d1) -> (0, 0, 0)>
module attributes {stable_mosaic.version = 14 : i64} {
  func.func @agg(%arg0: i32, %arg1: i32, %arg2: memref<10000x128xf32, #tpu.memory_space<hbm>>, %arg3: memref<320000xi32, #tpu.memory_space<hbm>>, %arg4: memref<320000xi32, #tpu.memory_space<hbm>>, %arg5: memref<2x10240x128xf32, #tpu.memory_space<hbm>>, %arg6: memref<80xi32, #tpu.memory_space<vmem>>, %arg7: memref<80xi32, #tpu.memory_space<vmem>>, %arg8: memref<80x128xf32, #tpu.memory_space<vmem>>, %arg9: memref<10240x128xf32, #tpu.memory_space<vmem_shared>>) attributes {dimension_semantics = [#tpu.dimension_semantics<core_parallel>, #tpu.dimension_semantics<subcore_parallel>], iteration_bounds = array<i64: 2, 16>, scalar_prefetch = 0 : i64, scratch_operands = 4 : i64, tpu.core_type = #tpu.core_type<sc_vector_subcore>, window_params = [{transform_indices = #map}, {transform_indices = #map1}, {transform_indices = #map1}, {transform_indices = #map2}]} {
    %mul3A = arith.constant 2 : i32
    %mul3A_0 = arith.muli %arg1, %mul3A : i32
    %add3A = arith.addi %mul3A_0, %arg0 : i32
    %broadcast_in_dim3A = arith.constant 0.000000e+00 : f32
    %broadcast_in_dim3A_1 = vector.broadcast %broadcast_in_dim3A : f32 to vector<16xf32>
    %scan3A = arith.constant 0 : i32
    %scan3A_2 = arith.constant 0 : i32
    %scan3A_3 = arith.constant 80 : i32
    %scan3A_4 = arith.addi %scan3A_2, %scan3A_3 : i32
    %scan3A_5 = arith.constant 1 : i32
    scf.for %scan3A_52 = %scan3A_2 to %scan3A_4 step %scan3A_5  : i32 {
      %swap3A = arith.index_cast %scan3A_52 : i32 to index
      %swap3A_53 = arith.constant 0 : index
      %swap3A_54 = tpu.vector_load %arg8[%swap3A, %swap3A_53] {strides = array<i32>} : memref<80x128xf32, #tpu.memory_space<vmem>>, vector<1x16xf32>,
      %swap3A_55 = vector.shape_cast %swap3A_54 : vector<1x16xf32> to vector<16xf32>
      %swap3A_56 = vector.shape_cast %broadcast_in_dim3A_1 : vector<16xf32> to vector<1x16xf32>
      tpu.vector_store %arg8[%swap3A, %swap3A_53], %swap3A_56 {strides = array<i32>} : memref<80x128xf32, #tpu.memory_space<vmem>>, vector<1x16xf32>,
      %swap3A_57 = arith.index_cast %scan3A_52 : i32 to index
      %swap3A_58 = arith.constant 16 : index
      %swap3A_59 = tpu.vector_load %arg8[%swap3A_57, %swap3A_58] {strides = array<i32>} : memref<80x128xf32, #tpu.memory_space<vmem>>, vector<1x16xf32>,
      %swap3A_60 = vector.shape_cast %swap3A_59 : vector<1x16xf32> to vector<16xf32>
      %swap3A_61 = vector.shape_cast %broadcast_in_dim3A_1 : vector<16xf32> to vector<1x16xf32>
      tpu.vector_store %arg8[%swap3A_57, %swap3A_58], %swap3A_61 {strides = array<i32>} : memref<80x128xf32, #tpu.memory_space<vmem>>, vector<1x16xf32>,
      %swap3A_62 = arith.index_cast %scan3A_52 : i32 to index
      %swap3A_63 = arith.constant 32 : index
      %swap3A_64 = tpu.vector_load %arg8[%swap3A_62, %swap3A_63] {strides = array<i32>} : memref<80x128xf32, #tpu.memory_space<vmem>>, vector<1x16xf32>,
      %swap3A_65 = vector.shape_cast %swap3A_64 : vector<1x16xf32> to vector<16xf32>
      %swap3A_66 = vector.shape_cast %broadcast_in_dim3A_1 : vector<16xf32> to vector<1x16xf32>
      tpu.vector_store %arg8[%swap3A_62, %swap3A_63], %swap3A_66 {strides = array<i32>} : memref<80x128xf32, #tpu.memory_space<vmem>>, vector<1x16xf32>,
      %swap3A_67 = arith.index_cast %scan3A_52 : i32 to index
      %swap3A_68 = arith.constant 48 : index
      %swap3A_69 = tpu.vector_load %arg8[%swap3A_67, %swap3A_68] {strides = array<i32>} : memref<80x128xf32, #tpu.memory_space<vmem>>, vector<1x16xf32>,
      %swap3A_70 = vector.shape_cast %swap3A_69 : vector<1x16xf32> to vector<16xf32>
      %swap3A_71 = vector.shape_cast %broadcast_in_dim3A_1 : vector<16xf32> to vector<1x16xf32>
      tpu.vector_store %arg8[%swap3A_67, %swap3A_68], %swap3A_71 {strides = array<i32>} : memref<80x128xf32, #tpu.memory_space<vmem>>, vector<1x16xf32>,
      %swap3A_72 = arith.index_cast %scan3A_52 : i32 to index
      %swap3A_73 = arith.constant 64 : index
      %swap3A_74 = tpu.vector_load %arg8[%swap3A_72, %swap3A_73] {strides = array<i32>} : memref<80x128xf32, #tpu.memory_space<vmem>>, vector<1x16xf32>,
      %swap3A_75 = vector.shape_cast %swap3A_74 : vector<1x16xf32> to vector<16xf32>
      %swap3A_76 = vector.shape_cast %broadcast_in_dim3A_1 : vector<16xf32> to vector<1x16xf32>
      tpu.vector_store %arg8[%swap3A_72, %swap3A_73], %swap3A_76 {strides = array<i32>} : memref<80x128xf32, #tpu.memory_space<vmem>>, vector<1x16xf32>,
      %swap3A_77 = arith.index_cast %scan3A_52 : i32 to index
      %swap3A_78 = arith.constant 80 : index
      %swap3A_79 = tpu.vector_load %arg8[%swap3A_77, %swap3A_78] {strides = array<i32>} : memref<80x128xf32, #tpu.memory_space<vmem>>, vector<1x16xf32>,
      %swap3A_80 = vector.shape_cast %swap3A_79 : vector<1x16xf32> to vector<16xf32>
      %swap3A_81 = vector.shape_cast %broadcast_in_dim3A_1 : vector<16xf32> to vector<1x16xf32>
      tpu.vector_store %arg8[%swap3A_77, %swap3A_78], %swap3A_81 {strides = array<i32>} : memref<80x128xf32, #tpu.memory_space<vmem>>, vector<1x16xf32>,
      %swap3A_82 = arith.index_cast %scan3A_52 : i32 to index
      %swap3A_83 = arith.constant 96 : index
      %swap3A_84 = tpu.vector_load %arg8[%swap3A_82, %swap3A_83] {strides = array<i32>} : memref<80x128xf32, #tpu.memory_space<vmem>>, vector<1x16xf32>,
      %swap3A_85 = vector.shape_cast %swap3A_84 : vector<1x16xf32> to vector<16xf32>
      %swap3A_86 = vector.shape_cast %broadcast_in_dim3A_1 : vector<16xf32> to vector<1x16xf32>
      tpu.vector_store %arg8[%swap3A_82, %swap3A_83], %swap3A_86 {strides = array<i32>} : memref<80x128xf32, #tpu.memory_space<vmem>>, vector<1x16xf32>,
      %swap3A_87 = arith.index_cast %scan3A_52 : i32 to index
      %swap3A_88 = arith.constant 112 : index
      %swap3A_89 = tpu.vector_load %arg8[%swap3A_87, %swap3A_88] {strides = array<i32>} : memref<80x128xf32, #tpu.memory_space<vmem>>, vector<1x16xf32>,
      %swap3A_90 = vector.shape_cast %swap3A_89 : vector<1x16xf32> to vector<16xf32>
      %swap3A_91 = vector.shape_cast %broadcast_in_dim3A_1 : vector<16xf32> to vector<1x16xf32>
      tpu.vector_store %arg8[%swap3A_87, %swap3A_88], %swap3A_91 {strides = array<i32>} : memref<80x128xf32, #tpu.memory_space<vmem>>, vector<1x16xf32>,
    }
    %scan3A_6 = arith.constant 80 : i32
    %mul3A_7 = arith.constant 640 : i32
    %mul3A_8 = arith.muli %arg1, %mul3A_7 : i32
    %add3A_9 = arith.constant 0 : i32
    %add3A_10 = arith.addi %mul3A_8, %add3A_9 : i32
    "tpu.region"() ({
      %run_scoped3A = tpu.sem_alloc : memref<!tpu.dma_semaphore, #tpu.memory_space<semaphore_mem>>
      %dma_start3A = arith.constant 0 : i32
      %dma_start3A_52 = tpu.memref_slice %arg9[%add3A_10, %dma_start3A] : memref<10240x128xf32, #tpu.memory_space<vmem_shared>> -> memref<80x128xf32, #tpu.memory_space<vmem_shared>>
      %dma_start3A_53 = arith.constant 0 : i32
      %dma_start3A_54 = tpu.memref_slice %arg9[%add3A_10, %dma_start3A_53] : memref<10240x128xf32, #tpu.memory_space<vmem_shared>> -> memref<80x128xf32, #tpu.memory_space<vmem_shared>>
      tpu.enqueue_dma source(%arg8 : memref<80x128xf32, #tpu.memory_space<vmem>>) target(%dma_start3A_54 : memref<80x128xf32, #tpu.memory_space<vmem_shared>>) target_semaphore(%run_scoped3A : memref<!tpu.dma_semaphore, #tpu.memory_space<semaphore_mem>>)
      %dma_wait3A = arith.constant 0 : i32
      %dma_wait3A_55 = tpu.memref_slice %arg9[%add3A_10, %dma_wait3A] : memref<10240x128xf32, #tpu.memory_space<vmem_shared>> -> memref<80x128xf32, #tpu.memory_space<vmem_shared>>
      %dma_wait3A_56 = arith.constant 0 : i32
      %dma_wait3A_57 = tpu.memref_slice %arg9[%add3A_10, %dma_wait3A_56] : memref<10240x128xf32, #tpu.memory_space<vmem_shared>> -> memref<80x128xf32, #tpu.memory_space<vmem_shared>>
      tpu.wait_dma2 semaphore(%run_scoped3A : memref<!tpu.dma_semaphore, #tpu.memory_space<semaphore_mem>>) src(%arg8 : memref<80x128xf32, #tpu.memory_space<vmem>>) dst(%dma_wait3A_57 : memref<80x128xf32, #tpu.memory_space<vmem_shared>>)
      tpu.yield
    }) : () -> ()
    %mul3A_11 = arith.constant 640 : i32
    %mul3A_12 = arith.muli %arg1, %mul3A_11 : i32
    %add3A_13 = arith.constant 80 : i32
    %add3A_14 = arith.addi %mul3A_12, %add3A_13 : i32
    "tpu.region"() ({
      %run_scoped3A = tpu.sem_alloc : memref<!tpu.dma_semaphore, #tpu.memory_space<semaphore_mem>>
      %dma_start3A = arith.constant 0 : i32
      %dma_start3A_52 = tpu.memref_slice %arg9[%add3A_14, %dma_start3A] : memref<10240x128xf32, #tpu.memory_space<vmem_shared>> -> memref<80x128xf32, #tpu.memory_space<vmem_shared>>
      %dma_start3A_53 = arith.constant 0 : i32
      %dma_start3A_54 = tpu.memref_slice %arg9[%add3A_14, %dma_start3A_53] : memref<10240x128xf32, #tpu.memory_space<vmem_shared>> -> memref<80x128xf32, #tpu.memory_space<vmem_shared>>
      tpu.enqueue_dma source(%arg8 : memref<80x128xf32, #tpu.memory_space<vmem>>) target(%dma_start3A_54 : memref<80x128xf32, #tpu.memory_space<vmem_shared>>) target_semaphore(%run_scoped3A : memref<!tpu.dma_semaphore, #tpu.memory_space<semaphore_mem>>)
      %dma_wait3A = arith.constant 0 : i32
      %dma_wait3A_55 = tpu.memref_slice %arg9[%add3A_14, %dma_wait3A] : memref<10240x128xf32, #tpu.memory_space<vmem_shared>> -> memref<80x128xf32, #tpu.memory_space<vmem_shared>>
      %dma_wait3A_56 = arith.constant 0 : i32
      %dma_wait3A_57 = tpu.memref_slice %arg9[%add3A_14, %dma_wait3A_56] : memref<10240x128xf32, #tpu.memory_space<vmem_shared>> -> memref<80x128xf32, #tpu.memory_space<vmem_shared>>
      tpu.wait_dma2 semaphore(%run_scoped3A : memref<!tpu.dma_semaphore, #tpu.memory_space<semaphore_mem>>) src(%arg8 : memref<80x128xf32, #tpu.memory_space<vmem>>) dst(%dma_wait3A_57 : memref<80x128xf32, #tpu.memory_space<vmem_shared>>)
      tpu.yield
    }) : () -> ()
    %mul3A_15 = arith.constant 640 : i32
    %mul3A_16 = arith.muli %arg1, %mul3A_15 : i32
    %add3A_17 = arith.constant 160 : i32
    %add3A_18 = arith.addi %mul3A_16, %add3A_17 : i32
    "tpu.region"() ({
      %run_scoped3A = tpu.sem_alloc : memref<!tpu.dma_semaphore, #tpu.memory_space<semaphore_mem>>
      %dma_start3A = arith.constant 0 : i32
      %dma_start3A_52 = tpu.memref_slice %arg9[%add3A_18, %dma_start3A] : memref<10240x128xf32, #tpu.memory_space<vmem_shared>> -> memref<80x128xf32, #tpu.memory_space<vmem_shared>>
      %dma_start3A_53 = arith.constant 0 : i32
      %dma_start3A_54 = tpu.memref_slice %arg9[%add3A_18, %dma_start3A_53] : memref<10240x128xf32, #tpu.memory_space<vmem_shared>> -> memref<80x128xf32, #tpu.memory_space<vmem_shared>>
      tpu.enqueue_dma source(%arg8 : memref<80x128xf32, #tpu.memory_space<vmem>>) target(%dma_start3A_54 : memref<80x128xf32, #tpu.memory_space<vmem_shared>>) target_semaphore(%run_scoped3A : memref<!tpu.dma_semaphore, #tpu.memory_space<semaphore_mem>>)
      %dma_wait3A = arith.constant 0 : i32
      %dma_wait3A_55 = tpu.memref_slice %arg9[%add3A_18, %dma_wait3A] : memref<10240x128xf32, #tpu.memory_space<vmem_shared>> -> memref<80x128xf32, #tpu.memory_space<vmem_shared>>
      %dma_wait3A_56 = arith.constant 0 : i32
      %dma_wait3A_57 = tpu.memref_slice %arg9[%add3A_18, %dma_wait3A_56] : memref<10240x128xf32, #tpu.memory_space<vmem_shared>> -> memref<80x128xf32, #tpu.memory_space<vmem_shared>>
      tpu.wait_dma2 semaphore(%run_scoped3A : memref<!tpu.dma_semaphore, #tpu.memory_space<semaphore_mem>>) src(%arg8 : memref<80x128xf32, #tpu.memory_space<vmem>>) dst(%dma_wait3A_57 : memref<80x128xf32, #tpu.memory_space<vmem_shared>>)
      tpu.yield
    }) : () -> ()
    %mul3A_19 = arith.constant 640 : i32
    %mul3A_20 = arith.muli %arg1, %mul3A_19 : i32
    %add3A_21 = arith.constant 240 : i32
    %add3A_22 = arith.addi %mul3A_20, %add3A_21 : i32
    "tpu.region"() ({
      %run_scoped3A = tpu.sem_alloc : memref<!tpu.dma_semaphore, #tpu.memory_space<semaphore_mem>>
      %dma_start3A = arith.constant 0 : i32
      %dma_start3A_52 = tpu.memref_slice %arg9[%add3A_22, %dma_start3A] : memref<10240x128xf32, #tpu.memory_space<vmem_shared>> -> memref<80x128xf32, #tpu.memory_space<vmem_shared>>
      %dma_start3A_53 = arith.constant 0 : i32
      %dma_start3A_54 = tpu.memref_slice %arg9[%add3A_22, %dma_start3A_53] : memref<10240x128xf32, #tpu.memory_space<vmem_shared>> -> memref<80x128xf32, #tpu.memory_space<vmem_shared>>
      tpu.enqueue_dma source(%arg8 : memref<80x128xf32, #tpu.memory_space<vmem>>) target(%dma_start3A_54 : memref<80x128xf32, #tpu.memory_space<vmem_shared>>) target_semaphore(%run_scoped3A : memref<!tpu.dma_semaphore, #tpu.memory_space<semaphore_mem>>)
      %dma_wait3A = arith.constant 0 : i32
      %dma_wait3A_55 = tpu.memref_slice %arg9[%add3A_22, %dma_wait3A] : memref<10240x128xf32, #tpu.memory_space<vmem_shared>> -> memref<80x128xf32, #tpu.memory_space<vmem_shared>>
      %dma_wait3A_56 = arith.constant 0 : i32
      %dma_wait3A_57 = tpu.memref_slice %arg9[%add3A_22, %dma_wait3A_56] : memref<10240x128xf32, #tpu.memory_space<vmem_shared>> -> memref<80x128xf32, #tpu.memory_space<vmem_shared>>
      tpu.wait_dma2 semaphore(%run_scoped3A : memref<!tpu.dma_semaphore, #tpu.memory_space<semaphore_mem>>) src(%arg8 : memref<80x128xf32, #tpu.memory_space<vmem>>) dst(%dma_wait3A_57 : memref<80x128xf32, #tpu.memory_space<vmem_shared>>)
      tpu.yield
    }) : () -> ()
    %mul3A_23 = arith.constant 640 : i32
    %mul3A_24 = arith.muli %arg1, %mul3A_23 : i32
    %add3A_25 = arith.constant 320 : i32
    %add3A_26 = arith.addi %mul3A_24, %add3A_25 : i32
    "tpu.region"() ({
      %run_scoped3A = tpu.sem_alloc : memref<!tpu.dma_semaphore, #tpu.memory_space<semaphore_mem>>
      %dma_start3A = arith.constant 0 : i32
      %dma_start3A_52 = tpu.memref_slice %arg9[%add3A_26, %dma_start3A] : memref<10240x128xf32, #tpu.memory_space<vmem_shared>> -> memref<80x128xf32, #tpu.memory_space<vmem_shared>>
      %dma_start3A_53 = arith.constant 0 : i32
      %dma_start3A_54 = tpu.memref_slice %arg9[%add3A_26, %dma_start3A_53] : memref<10240x128xf32, #tpu.memory_space<vmem_shared>> -> memref<80x128xf32, #tpu.memory_space<vmem_shared>>
      tpu.enqueue_dma source(%arg8 : memref<80x128xf32, #tpu.memory_space<vmem>>) target(%dma_start3A_54 : memref<80x128xf32, #tpu.memory_space<vmem_shared>>) target_semaphore(%run_scoped3A : memref<!tpu.dma_semaphore, #tpu.memory_space<semaphore_mem>>)
      %dma_wait3A = arith.constant 0 : i32
      %dma_wait3A_55 = tpu.memref_slice %arg9[%add3A_26, %dma_wait3A] : memref<10240x128xf32, #tpu.memory_space<vmem_shared>> -> memref<80x128xf32, #tpu.memory_space<vmem_shared>>
      %dma_wait3A_56 = arith.constant 0 : i32
      %dma_wait3A_57 = tpu.memref_slice %arg9[%add3A_26, %dma_wait3A_56] : memref<10240x128xf32, #tpu.memory_space<vmem_shared>> -> memref<80x128xf32, #tpu.memory_space<vmem_shared>>
      tpu.wait_dma2 semaphore(%run_scoped3A : memref<!tpu.dma_semaphore, #tpu.memory_space<semaphore_mem>>) src(%arg8 : memref<80x128xf32, #tpu.memory_space<vmem>>) dst(%dma_wait3A_57 : memref<80x128xf32, #tpu.memory_space<vmem_shared>>)
      tpu.yield
    }) : () -> ()
    %mul3A_27 = arith.constant 640 : i32
    %mul3A_28 = arith.muli %arg1, %mul3A_27 : i32
    %add3A_29 = arith.constant 400 : i32
    %add3A_30 = arith.addi %mul3A_28, %add3A_29 : i32
    "tpu.region"() ({
      %run_scoped3A = tpu.sem_alloc : memref<!tpu.dma_semaphore, #tpu.memory_space<semaphore_mem>>
      %dma_start3A = arith.constant 0 : i32
      %dma_start3A_52 = tpu.memref_slice %arg9[%add3A_30, %dma_start3A] : memref<10240x128xf32, #tpu.memory_space<vmem_shared>> -> memref<80x128xf32, #tpu.memory_space<vmem_shared>>
      %dma_start3A_53 = arith.constant 0 : i32
      %dma_start3A_54 = tpu.memref_slice %arg9[%add3A_30, %dma_start3A_53] : memref<10240x128xf32, #tpu.memory_space<vmem_shared>> -> memref<80x128xf32, #tpu.memory_space<vmem_shared>>
      tpu.enqueue_dma source(%arg8 : memref<80x128xf32, #tpu.memory_space<vmem>>) target(%dma_start3A_54 : memref<80x128xf32, #tpu.memory_space<vmem_shared>>) target_semaphore(%run_scoped3A : memref<!tpu.dma_semaphore, #tpu.memory_space<semaphore_mem>>)
      %dma_wait3A = arith.constant 0 : i32
      %dma_wait3A_55 = tpu.memref_slice %arg9[%add3A_30, %dma_wait3A] : memref<10240x128xf32, #tpu.memory_space<vmem_shared>> -> memref<80x128xf32, #tpu.memory_space<vmem_shared>>
      %dma_wait3A_56 = arith.constant 0 : i32
      %dma_wait3A_57 = tpu.memref_slice %arg9[%add3A_30, %dma_wait3A_56] : memref<10240x128xf32, #tpu.memory_space<vmem_shared>> -> memref<80x128xf32, #tpu.memory_space<vmem_shared>>
      tpu.wait_dma2 semaphore(%run_scoped3A : memref<!tpu.dma_semaphore, #tpu.memory_space<semaphore_mem>>) src(%arg8 : memref<80x128xf32, #tpu.memory_space<vmem>>) dst(%dma_wait3A_57 : memref<80x128xf32, #tpu.memory_space<vmem_shared>>)
      tpu.yield
    }) : () -> ()
    %mul3A_31 = arith.constant 640 : i32
    %mul3A_32 = arith.muli %arg1, %mul3A_31 : i32
    %add3A_33 = arith.constant 480 : i32
    %add3A_34 = arith.addi %mul3A_32, %add3A_33 : i32
    "tpu.region"() ({
      %run_scoped3A = tpu.sem_alloc : memref<!tpu.dma_semaphore, #tpu.memory_space<semaphore_mem>>
      %dma_start3A = arith.constant 0 : i32
      %dma_start3A_52 = tpu.memref_slice %arg9[%add3A_34, %dma_start3A] : memref<10240x128xf32, #tpu.memory_space<vmem_shared>> -> memref<80x128xf32, #tpu.memory_space<vmem_shared>>
      %dma_start3A_53 = arith.constant 0 : i32
      %dma_start3A_54 = tpu.memref_slice %arg9[%add3A_34, %dma_start3A_53] : memref<10240x128xf32, #tpu.memory_space<vmem_shared>> -> memref<80x128xf32, #tpu.memory_space<vmem_shared>>
      tpu.enqueue_dma source(%arg8 : memref<80x128xf32, #tpu.memory_space<vmem>>) target(%dma_start3A_54 : memref<80x128xf32, #tpu.memory_space<vmem_shared>>) target_semaphore(%run_scoped3A : memref<!tpu.dma_semaphore, #tpu.memory_space<semaphore_mem>>)
      %dma_wait3A = arith.constant 0 : i32
      %dma_wait3A_55 = tpu.memref_slice %arg9[%add3A_34, %dma_wait3A] : memref<10240x128xf32, #tpu.memory_space<vmem_shared>> -> memref<80x128xf32, #tpu.memory_space<vmem_shared>>
      %dma_wait3A_56 = arith.constant 0 : i32
      %dma_wait3A_57 = tpu.memref_slice %arg9[%add3A_34, %dma_wait3A_56] : memref<10240x128xf32, #tpu.memory_space<vmem_shared>> -> memref<80x128xf32, #tpu.memory_space<vmem_shared>>
      tpu.wait_dma2 semaphore(%run_scoped3A : memref<!tpu.dma_semaphore, #tpu.memory_space<semaphore_mem>>) src(%arg8 : memref<80x128xf32, #tpu.memory_space<vmem>>) dst(%dma_wait3A_57 : memref<80x128xf32, #tpu.memory_space<vmem_shared>>)
      tpu.yield
    }) : () -> ()
    %mul3A_35 = arith.constant 640 : i32
    %mul3A_36 = arith.muli %arg1, %mul3A_35 : i32
    %add3A_37 = arith.constant 560 : i32
    %add3A_38 = arith.addi %mul3A_36, %add3A_37 : i32
    "tpu.region"() ({
      %run_scoped3A = tpu.sem_alloc : memref<!tpu.dma_semaphore, #tpu.memory_space<semaphore_mem>>
      %dma_start3A = arith.constant 0 : i32
      %dma_start3A_52 = tpu.memref_slice %arg9[%add3A_38, %dma_start3A] : memref<10240x128xf32, #tpu.memory_space<vmem_shared>> -> memref<80x128xf32, #tpu.memory_space<vmem_shared>>
      %dma_start3A_53 = arith.constant 0 : i32
      %dma_start3A_54 = tpu.memref_slice %arg9[%add3A_38, %dma_start3A_53] : memref<10240x128xf32, #tpu.memory_space<vmem_shared>> -> memref<80x128xf32, #tpu.memory_space<vmem_shared>>
      tpu.enqueue_dma source(%arg8 : memref<80x128xf32, #tpu.memory_space<vmem>>) target(%dma_start3A_54 : memref<80x128xf32, #tpu.memory_space<vmem_shared>>) target_semaphore(%run_scoped3A : memref<!tpu.dma_semaphore, #tpu.memory_space<semaphore_mem>>)
      %dma_wait3A = arith.constant 0 : i32
      %dma_wait3A_55 = tpu.memref_slice %arg9[%add3A_38, %dma_wait3A] : memref<10240x128xf32, #tpu.memory_space<vmem_shared>> -> memref<80x128xf32, #tpu.memory_space<vmem_shared>>
      %dma_wait3A_56 = arith.constant 0 : i32
      %dma_wait3A_57 = tpu.memref_slice %arg9[%add3A_38, %dma_wait3A_56] : memref<10240x128xf32, #tpu.memory_space<vmem_shared>> -> memref<80x128xf32, #tpu.memory_space<vmem_shared>>
      tpu.wait_dma2 semaphore(%run_scoped3A : memref<!tpu.dma_semaphore, #tpu.memory_space<semaphore_mem>>) src(%arg8 : memref<80x128xf32, #tpu.memory_space<vmem>>) dst(%dma_wait3A_57 : memref<80x128xf32, #tpu.memory_space<vmem_shared>>)
      tpu.yield
    }) : () -> ()
    %barrier3A = arith.constant 0 : index
    tpu.barrier barrier_id(%barrier3A)
    %mul3A_39 = arith.constant 10000 : i32
    %mul3A_40 = arith.muli %add3A, %mul3A_39 : i32
    %scan3A_41 = arith.constant 0 : i32
    %scan3A_42 = arith.constant 0 : i32
    %scan3A_43 = arith.constant 125 : i32
    %scan3A_44 = arith.addi %scan3A_42, %scan3A_43 : i32
    %scan3A_45 = arith.constant 1 : i32
    scf.for %scan3A_52 = %scan3A_42 to %scan3A_44 step %scan3A_45  : i32 {
      %mul3A_53 = arith.constant 80 : i32
      %mul3A_54 = arith.muli %scan3A_52, %mul3A_53 : i32
      %add3A_55 = arith.addi %mul3A_40, %mul3A_54 : i32
      "tpu.region"() ({
        %run_scoped3A = tpu.sem_alloc : memref<!tpu.dma_semaphore, #tpu.memory_space<semaphore_mem>>
        %dma_start3A = tpu.memref_slice %arg3[%add3A_55] : memref<320000xi32, #tpu.memory_space<hbm>> -> memref<80xi32, #tpu.memory_space<hbm>>
        %dma_start3A_56 = tpu.memref_slice %arg3[%add3A_55] : memref<320000xi32, #tpu.memory_space<hbm>> -> memref<80xi32, #tpu.memory_space<hbm>>
        tpu.enqueue_dma source(%dma_start3A_56 : memref<80xi32, #tpu.memory_space<hbm>>) target(%arg6 : memref<80xi32, #tpu.memory_space<vmem>>) target_semaphore(%run_scoped3A : memref<!tpu.dma_semaphore, #tpu.memory_space<semaphore_mem>>)
        %dma_wait3A = tpu.memref_slice %arg3[%add3A_55] : memref<320000xi32, #tpu.memory_space<hbm>> -> memref<80xi32, #tpu.memory_space<hbm>>
        %dma_wait3A_57 = tpu.memref_slice %arg3[%add3A_55] : memref<320000xi32, #tpu.memory_space<hbm>> -> memref<80xi32, #tpu.memory_space<hbm>>
        tpu.wait_dma2 semaphore(%run_scoped3A : memref<!tpu.dma_semaphore, #tpu.memory_space<semaphore_mem>>) src(%dma_wait3A_57 : memref<80xi32, #tpu.memory_space<hbm>>) dst(%arg6 : memref<80xi32, #tpu.memory_space<vmem>>)
        tpu.yield
      }) : () -> ()
      "tpu.region"() ({
        %run_scoped3A = tpu.sem_alloc : memref<!tpu.dma_semaphore, #tpu.memory_space<semaphore_mem>>
        %dma_start3A = tpu.memref_slice %arg4[%add3A_55] : memref<320000xi32, #tpu.memory_space<hbm>> -> memref<80xi32, #tpu.memory_space<hbm>>
        %dma_start3A_56 = tpu.memref_slice %arg4[%add3A_55] : memref<320000xi32, #tpu.memory_space<hbm>> -> memref<80xi32, #tpu.memory_space<hbm>>
        tpu.enqueue_dma source(%dma_start3A_56 : memref<80xi32, #tpu.memory_space<hbm>>) target(%arg7 : memref<80xi32, #tpu.memory_space<vmem>>) target_semaphore(%run_scoped3A : memref<!tpu.dma_semaphore, #tpu.memory_space<semaphore_mem>>)
        %dma_wait3A = tpu.memref_slice %arg4[%add3A_55] : memref<320000xi32, #tpu.memory_space<hbm>> -> memref<80xi32, #tpu.memory_space<hbm>>
        %dma_wait3A_57 = tpu.memref_slice %arg4[%add3A_55] : memref<320000xi32, #tpu.memory_space<hbm>> -> memref<80xi32, #tpu.memory_space<hbm>>
        tpu.wait_dma2 semaphore(%run_scoped3A : memref<!tpu.dma_semaphore, #tpu.memory_space<semaphore_mem>>) src(%dma_wait3A_57 : memref<80xi32, #tpu.memory_space<hbm>>) dst(%arg7 : memref<80xi32, #tpu.memory_space<vmem>>)
        tpu.yield
      }) : () -> ()
      "tpu.region"() ({
        %run_scoped3A = tpu.sem_alloc : memref<!tpu.dma_semaphore, #tpu.memory_space<semaphore_mem>>
        %dma_start3A = arith.constant 0 : i32
        %dma_start3A_56 = arith.constant 0 : i32
        %dma_start3A_57 = tpu.memref_slice %arg2[%dma_start3A, %dma_start3A_56] : memref<10000x128xf32, #tpu.memory_space<hbm>> -> memref<10000x128xf32, #tpu.memory_space<hbm>>
        tpu.enqueue_indirect_dma source(%dma_start3A_57 : memref<10000x128xf32, #tpu.memory_space<hbm>>) target(%arg8 : memref<80x128xf32, #tpu.memory_space<vmem>>) offsets(%arg6 : memref<80xi32, #tpu.memory_space<vmem>>) semaphore(%run_scoped3A : memref<!tpu.dma_semaphore, #tpu.memory_space<semaphore_mem>>)
        %dma_wait3A = arith.constant 0 : i32
        %dma_wait3A_58 = arith.constant 0 : i32
        %dma_wait3A_59 = tpu.memref_slice %arg2[%dma_wait3A, %dma_wait3A_58] : memref<10000x128xf32, #tpu.memory_space<hbm>> -> memref<10000x128xf32, #tpu.memory_space<hbm>>
        tpu.wait_indirect_dma semaphore(%run_scoped3A : memref<!tpu.dma_semaphore, #tpu.memory_space<semaphore_mem>>) src(%dma_wait3A_59 : memref<10000x128xf32, #tpu.memory_space<hbm>>) dst(%arg8 : memref<80x128xf32, #tpu.memory_space<vmem>>)
        tpu.yield
      }) : () -> ()
      "tpu.region"() ({
        %run_scoped3A = tpu.sem_alloc : memref<!tpu.dma_semaphore, #tpu.memory_space<semaphore_mem>>
        %dma_start3A = arith.constant 0 : i32
        %dma_start3A_56 = arith.constant 0 : i32
        %dma_start3A_57 = tpu.memref_slice %arg9[%dma_start3A, %dma_start3A_56] : memref<10240x128xf32, #tpu.memory_space<vmem_shared>> -> memref<10240x128xf32, #tpu.memory_space<vmem_shared>>
        tpu.enqueue_indirect_dma source(%arg8 : memref<80x128xf32, #tpu.memory_space<vmem>>) target(%dma_start3A_57 : memref<10240x128xf32, #tpu.memory_space<vmem_shared>>) offsets(%arg7 : memref<80xi32, #tpu.memory_space<vmem>>) semaphore(%run_scoped3A : memref<!tpu.dma_semaphore, #tpu.memory_space<semaphore_mem>>) {add = true}
        %dma_wait3A = arith.constant 0 : i32
        %dma_wait3A_58 = arith.constant 0 : i32
        %dma_wait3A_59 = tpu.memref_slice %arg9[%dma_wait3A, %dma_wait3A_58] : memref<10240x128xf32, #tpu.memory_space<vmem_shared>> -> memref<10240x128xf32, #tpu.memory_space<vmem_shared>>
        tpu.wait_indirect_dma semaphore(%run_scoped3A : memref<!tpu.dma_semaphore, #tpu.memory_space<semaphore_mem>>) src(%arg8 : memref<80x128xf32, #tpu.memory_space<vmem>>) dst(%dma_wait3A_59 : memref<10240x128xf32, #tpu.memory_space<vmem_shared>>)
        tpu.yield
      }) : () -> ()
    }
    %scan3A_46 = arith.constant 125 : i32
    %barrier3A_47 = arith.constant 0 : index
    tpu.barrier barrier_id(%barrier3A_47)
    %mul3A_48 = arith.constant 640 : i32
    %mul3A_49 = arith.muli %arg1, %mul3A_48 : i32
    %mul3A_50 = arith.constant 640 : i32
    %mul3A_51 = arith.muli %arg1, %mul3A_50 : i32
    "tpu.region"() ({
      %run_scoped3A = tpu.sem_alloc : memref<!tpu.dma_semaphore, #tpu.memory_space<semaphore_mem>>
      %dma_start3A = arith.constant 0 : i32
      %dma_start3A_52 = tpu.memref_slice %arg5[%arg0, %mul3A_51, %dma_start3A] : memref<2x10240x128xf32, #tpu.memory_space<hbm>> -> memref<1x640x128xf32, #tpu.memory_space<hbm>>
      %dma_start3A_53 = tpu.memref_squeeze %dma_start3A_52 : memref<1x640x128xf32, #tpu.memory_space<hbm>> -> memref<640x128xf32, #tpu.memory_space<hbm>>
      %dma_start3A_54 = arith.constant 0 : i32
      %dma_start3A_55 = tpu.memref_slice %arg9[%mul3A_49, %dma_start3A_54] : memref<10240x128xf32, #tpu.memory_space<vmem_shared>> -> memref<640x128xf32, #tpu.memory_space<vmem_shared>>
      tpu.enqueue_dma source(%dma_start3A_55 : memref<640x128xf32, #tpu.memory_space<vmem_shared>>) target(%dma_start3A_53 : memref<640x128xf32, #tpu.memory_space<hbm>>) target_semaphore(%run_scoped3A : memref<!tpu.dma_semaphore, #tpu.memory_space<semaphore_mem>>)
      %dma_wait3A = arith.constant 0 : i32
      %dma_wait3A_56 = tpu.memref_slice %arg5[%arg0, %mul3A_51, %dma_wait3A] : memref<2x10240x128xf32, #tpu.memory_space<hbm>> -> memref<1x640x128xf32, #tpu.memory_space<hbm>>
      %dma_wait3A_57 = tpu.memref_squeeze %dma_wait3A_56 : memref<1x640x128xf32, #tpu.memory_space<hbm>> -> memref<640x128xf32, #tpu.memory_space<hbm>>
      %dma_wait3A_58 = arith.constant 0 : i32
      %dma_wait3A_59 = tpu.memref_slice %arg9[%mul3A_49, %dma_wait3A_58] : memref<10240x128xf32, #tpu.memory_space<vmem_shared>> -> memref<640x128xf32, #tpu.memory_space<vmem_shared>>
      tpu.wait_dma2 semaphore(%run_scoped3A : memref<!tpu.dma_semaphore, #tpu.memory_space<semaphore_mem>>) src(%dma_wait3A_59 : memref<640x128xf32, #tpu.memory_space<vmem_shared>>) dst(%dma_wait3A_57 : memref<640x128xf32, #tpu.memory_space<hbm>>)
      tpu.yield
    }) : () -> ()
    return
  }
}

#map = affine_map<(d0, d1) -> (0)>
#map1 = affine_map<(d0, d1) -> (0, 0)>
module attributes {stable_mosaic.version = 14 : i64} {
  func.func @_deg_kernel(%arg0: i32, %arg1: i32, %arg2: memref<320000xi32, #tpu.memory_space<hbm>>, %arg3: memref<2x10240xf32, #tpu.memory_space<hbm>>, %arg4: memref<80xi32, #tpu.memory_space<vmem>>, %arg5: memref<80xf32, #tpu.memory_space<vmem>>, %arg6: memref<640xf32, #tpu.memory_space<vmem>>, %arg7: memref<10240xf32, #tpu.memory_space<vmem_shared>>) attributes {dimension_semantics = [#tpu.dimension_semantics<core_parallel>, #tpu.dimension_semantics<subcore_parallel>], iteration_bounds = array<i64: 2, 16>, scalar_prefetch = 0 : i64, scratch_operands = 4 : i64, tpu.core_type = #tpu.core_type<sc_vector_subcore>, window_params = [{transform_indices = #map}, {transform_indices = #map1}]} {
    %mul3A = arith.constant 2 : i32
    %mul3A_0 = arith.muli %arg1, %mul3A : i32
    %add3A = arith.addi %mul3A_0, %arg0 : i32
    %broadcast_in_dim3A = arith.constant 1.000000e+00 : f32
    %broadcast_in_dim3A_1 = vector.broadcast %broadcast_in_dim3A : f32 to vector<16xf32>
    %broadcast_in_dim3A_2 = arith.constant 0.000000e+00 : f32
    %broadcast_in_dim3A_3 = vector.broadcast %broadcast_in_dim3A_2 : f32 to vector<16xf32>
    %scan3A = arith.constant 0 : i32
    %scan3A_4 = arith.constant 0 : i32
    %scan3A_5 = arith.constant 5 : i32
    %scan3A_6 = arith.addi %scan3A_4, %scan3A_5 : i32
    %scan3A_7 = arith.constant 1 : i32
    scf.for %scan3A_30 = %scan3A_4 to %scan3A_6 step %scan3A_7  : i32 {
      %mul3A_31 = arith.constant 16 : i32
      %mul3A_32 = arith.muli %scan3A_30, %mul3A_31 : i32
      %swap3A = arith.index_cast %mul3A_32 : i32 to index
      %swap3A_33 = tpu.vector_load %arg5[%swap3A] {strides = array<i32>} : memref<80xf32, #tpu.memory_space<vmem>>, vector<16xf32>,
      %swap3A_34 = vector.shape_cast %swap3A_33 : vector<16xf32> to vector<16xf32>
      %swap3A_35 = vector.shape_cast %broadcast_in_dim3A_1 : vector<16xf32> to vector<16xf32>
      tpu.vector_store %arg5[%swap3A], %swap3A_35 {strides = array<i32>} : memref<80xf32, #tpu.memory_space<vmem>>, vector<16xf32>,
    }
    %scan3A_8 = arith.constant 5 : i32
    %scan3A_9 = arith.constant 0 : i32
    %scan3A_10 = arith.constant 0 : i32
    %scan3A_11 = arith.constant 40 : i32
    %scan3A_12 = arith.addi %scan3A_10, %scan3A_11 : i32
    %scan3A_13 = arith.constant 1 : i32
    scf.for %scan3A_30 = %scan3A_10 to %scan3A_12 step %scan3A_13  : i32 {
      %mul3A_31 = arith.constant 16 : i32
      %mul3A_32 = arith.muli %scan3A_30, %mul3A_31 : i32
      %swap3A = arith.index_cast %mul3A_32 : i32 to index
      %swap3A_33 = tpu.vector_load %arg6[%swap3A] {strides = array<i32>} : memref<640xf32, #tpu.memory_space<vmem>>, vector<16xf32>,
      %swap3A_34 = vector.shape_cast %swap3A_33 : vector<16xf32> to vector<16xf32>
      %swap3A_35 = vector.shape_cast %broadcast_in_dim3A_3 : vector<16xf32> to vector<16xf32>
      tpu.vector_store %arg6[%swap3A], %swap3A_35 {strides = array<i32>} : memref<640xf32, #tpu.memory_space<vmem>>, vector<16xf32>,
    }
    %scan3A_14 = arith.constant 40 : i32
    %mul3A_15 = arith.constant 640 : i32
    %mul3A_16 = arith.muli %arg1, %mul3A_15 : i32
    "tpu.region"() ({
      %run_scoped3A = tpu.sem_alloc : memref<!tpu.dma_semaphore, #tpu.memory_space<semaphore_mem>>
      %dma_start3A = tpu.memref_slice %arg7[%mul3A_16] : memref<10240xf32, #tpu.memory_space<vmem_shared>> -> memref<640xf32, #tpu.memory_space<vmem_shared>>
      %dma_start3A_30 = tpu.memref_slice %arg7[%mul3A_16] : memref<10240xf32, #tpu.memory_space<vmem_shared>> -> memref<640xf32, #tpu.memory_space<vmem_shared>>
      tpu.enqueue_dma source(%arg6 : memref<640xf32, #tpu.memory_space<vmem>>) target(%dma_start3A_30 : memref<640xf32, #tpu.memory_space<vmem_shared>>) target_semaphore(%run_scoped3A : memref<!tpu.dma_semaphore, #tpu.memory_space<semaphore_mem>>)
      %dma_wait3A = tpu.memref_slice %arg7[%mul3A_16] : memref<10240xf32, #tpu.memory_space<vmem_shared>> -> memref<640xf32, #tpu.memory_space<vmem_shared>>
      %dma_wait3A_31 = tpu.memref_slice %arg7[%mul3A_16] : memref<10240xf32, #tpu.memory_space<vmem_shared>> -> memref<640xf32, #tpu.memory_space<vmem_shared>>
      tpu.wait_dma2 semaphore(%run_scoped3A : memref<!tpu.dma_semaphore, #tpu.memory_space<semaphore_mem>>) src(%arg6 : memref<640xf32, #tpu.memory_space<vmem>>) dst(%dma_wait3A_31 : memref<640xf32, #tpu.memory_space<vmem_shared>>)
      tpu.yield
    }) : () -> ()
    %barrier3A = arith.constant 0 : index
    tpu.barrier barrier_id(%barrier3A)
    %mul3A_17 = arith.constant 10000 : i32
    %mul3A_18 = arith.muli %add3A, %mul3A_17 : i32
    %scan3A_19 = arith.constant 0 : i32
    %scan3A_20 = arith.constant 0 : i32
    %scan3A_21 = arith.constant 125 : i32
    %scan3A_22 = arith.addi %scan3A_20, %scan3A_21 : i32
    %scan3A_23 = arith.constant 1 : i32
    scf.for %scan3A_30 = %scan3A_20 to %scan3A_22 step %scan3A_23  : i32 {
      %mul3A_31 = arith.constant 80 : i32
      %mul3A_32 = arith.muli %scan3A_30, %mul3A_31 : i32
      %add3A_33 = arith.addi %mul3A_18, %mul3A_32 : i32
      "tpu.region"() ({
        %run_scoped3A = tpu.sem_alloc : memref<!tpu.dma_semaphore, #tpu.memory_space<semaphore_mem>>
        %dma_start3A = tpu.memref_slice %arg2[%add3A_33] : memref<320000xi32, #tpu.memory_space<hbm>> -> memref<80xi32, #tpu.memory_space<hbm>>
        %dma_start3A_34 = tpu.memref_slice %arg2[%add3A_33] : memref<320000xi32, #tpu.memory_space<hbm>> -> memref<80xi32, #tpu.memory_space<hbm>>
        tpu.enqueue_dma source(%dma_start3A_34 : memref<80xi32, #tpu.memory_space<hbm>>) target(%arg4 : memref<80xi32, #tpu.memory_space<vmem>>) target_semaphore(%run_scoped3A : memref<!tpu.dma_semaphore, #tpu.memory_space<semaphore_mem>>)
        %dma_wait3A = tpu.memref_slice %arg2[%add3A_33] : memref<320000xi32, #tpu.memory_space<hbm>> -> memref<80xi32, #tpu.memory_space<hbm>>
        %dma_wait3A_35 = tpu.memref_slice %arg2[%add3A_33] : memref<320000xi32, #tpu.memory_space<hbm>> -> memref<80xi32, #tpu.memory_space<hbm>>
        tpu.wait_dma2 semaphore(%run_scoped3A : memref<!tpu.dma_semaphore, #tpu.memory_space<semaphore_mem>>) src(%dma_wait3A_35 : memref<80xi32, #tpu.memory_space<hbm>>) dst(%arg4 : memref<80xi32, #tpu.memory_space<vmem>>)
        tpu.yield
      }) : () -> ()
      "tpu.region"() ({
        %run_scoped3A = tpu.sem_alloc : memref<!tpu.dma_semaphore, #tpu.memory_space<semaphore_mem>>
        %dma_start3A = arith.constant 0 : i32
        %dma_start3A_34 = tpu.memref_slice %arg7[%dma_start3A] : memref<10240xf32, #tpu.memory_space<vmem_shared>> -> memref<10240xf32, #tpu.memory_space<vmem_shared>>
        tpu.enqueue_indirect_dma source(%arg5 : memref<80xf32, #tpu.memory_space<vmem>>) target(%dma_start3A_34 : memref<10240xf32, #tpu.memory_space<vmem_shared>>) offsets(%arg4 : memref<80xi32, #tpu.memory_space<vmem>>) semaphore(%run_scoped3A : memref<!tpu.dma_semaphore, #tpu.memory_space<semaphore_mem>>) {add = true}
        %dma_wait3A = arith.constant 0 : i32
        %dma_wait3A_35 = tpu.memref_slice %arg7[%dma_wait3A] : memref<10240xf32, #tpu.memory_space<vmem_shared>> -> memref<10240xf32, #tpu.memory_space<vmem_shared>>
        tpu.wait_indirect_dma semaphore(%run_scoped3A : memref<!tpu.dma_semaphore, #tpu.memory_space<semaphore_mem>>) src(%arg5 : memref<80xf32, #tpu.memory_space<vmem>>) dst(%dma_wait3A_35 : memref<10240xf32, #tpu.memory_space<vmem_shared>>)
        tpu.yield
      }) : () -> ()
    }
    %scan3A_24 = arith.constant 125 : i32
    %barrier3A_25 = arith.constant 0 : index
    tpu.barrier barrier_id(%barrier3A_25)
    %mul3A_26 = arith.constant 640 : i32
    %mul3A_27 = arith.muli %arg1, %mul3A_26 : i32
    %mul3A_28 = arith.constant 640 : i32
    %mul3A_29 = arith.muli %arg1, %mul3A_28 : i32
    "tpu.region"() ({
      %run_scoped3A = tpu.sem_alloc : memref<!tpu.dma_semaphore, #tpu.memory_space<semaphore_mem>>
      %dma_start3A = tpu.memref_slice %arg3[%arg0, %mul3A_29] : memref<2x10240xf32, #tpu.memory_space<hbm>> -> memref<1x640xf32, #tpu.memory_space<hbm>>
      %dma_start3A_30 = tpu.memref_squeeze %dma_start3A : memref<1x640xf32, #tpu.memory_space<hbm>> -> memref<640xf32, #tpu.memory_space<hbm>>
      %dma_start3A_31 = tpu.memref_slice %arg7[%mul3A_27] : memref<10240xf32, #tpu.memory_space<vmem_shared>> -> memref<640xf32, #tpu.memory_space<vmem_shared>>
      tpu.enqueue_dma source(%dma_start3A_31 : memref<640xf32, #tpu.memory_space<vmem_shared>>) target(%dma_start3A_30 : memref<640xf32, #tpu.memory_space<hbm>>) target_semaphore(%run_scoped3A : memref<!tpu.dma_semaphore, #tpu.memory_space<semaphore_mem>>)
      %dma_wait3A = tpu.memref_slice %arg3[%arg0, %mul3A_29] : memref<2x10240xf32, #tpu.memory_space<hbm>> -> memref<1x640xf32, #tpu.memory_space<hbm>>
      %dma_wait3A_32 = tpu.memref_squeeze %dma_wait3A : memref<1x640xf32, #tpu.memory_space<hbm>> -> memref<640xf32, #tpu.memory_space<hbm>>
      %dma_wait3A_33 = tpu.memref_slice %arg7[%mul3A_27] : memref<10240xf32, #tpu.memory_space<vmem_shared>> -> memref<640xf32, #tpu.memory_space<vmem_shared>>
      tpu.wait_dma2 semaphore(%run_scoped3A : memref<!tpu.dma_semaphore, #tpu.memory_space<semaphore_mem>>) src(%dma_wait3A_33 : memref<640xf32, #tpu.memory_space<vmem_shared>>) dst(%dma_wait3A_32 : memref<640xf32, #tpu.memory_space<hbm>>)
      tpu.yield
    }) : () -> ()
    return
  }
}

#map = affine_map<(d0, d1) -> (0, 0)>
#map1 = affine_map<(d0, d1) -> (0)>
#map2 = affine_map<(d0, d1) -> (0, 0, 0)>
module attributes {stable_mosaic.version = 14 : i64} {
  func.func @agg(%arg0: i32, %arg1: i32, %arg2: memref<10000x128xf32, #tpu.memory_space<hbm>>, %arg3: memref<320000xi32, #tpu.memory_space<hbm>>, %arg4: memref<320000xi32, #tpu.memory_space<hbm>>, %arg5: memref<2x10240x128xf32, #tpu.memory_space<hbm>>, %arg6: memref<80xi32, #tpu.memory_space<vmem>>, %arg7: memref<80xi32, #tpu.memory_space<vmem>>, %arg8: memref<80x128xf32, #tpu.memory_space<vmem>>, %arg9: memref<10240x128xf32, #tpu.memory_space<vmem_shared>>) attributes {dimension_semantics = [#tpu.dimension_semantics<core_parallel>, #tpu.dimension_semantics<subcore_parallel>], iteration_bounds = array<i64: 2, 16>, scalar_prefetch = 0 : i64, scratch_operands = 4 : i64, tpu.core_type = #tpu.core_type<sc_vector_subcore>, window_params = [{transform_indices = #map}, {transform_indices = #map1}, {transform_indices = #map1}, {transform_indices = #map2}]} {
    %mul3A = arith.constant 2 : i32
    %mul3A_0 = arith.muli %arg1, %mul3A : i32
    %add3A = arith.addi %mul3A_0, %arg0 : i32
    %broadcast_in_dim3A = arith.constant 0.000000e+00 : f32
    %broadcast_in_dim3A_1 = vector.broadcast %broadcast_in_dim3A : f32 to vector<16xf32>
    %scan3A = arith.constant 0 : i32
    %scan3A_2 = arith.constant 0 : i32
    %scan3A_3 = arith.constant 80 : i32
    %scan3A_4 = arith.addi %scan3A_2, %scan3A_3 : i32
    %scan3A_5 = arith.constant 1 : i32
    scf.for %scan3A_52 = %scan3A_2 to %scan3A_4 step %scan3A_5  : i32 {
      %swap3A = arith.index_cast %scan3A_52 : i32 to index
      %swap3A_53 = arith.constant 0 : index
      %swap3A_54 = tpu.vector_load %arg8[%swap3A, %swap3A_53] {strides = array<i32>} : memref<80x128xf32, #tpu.memory_space<vmem>>, vector<1x16xf32>,
      %swap3A_55 = vector.shape_cast %swap3A_54 : vector<1x16xf32> to vector<16xf32>
      %swap3A_56 = vector.shape_cast %broadcast_in_dim3A_1 : vector<16xf32> to vector<1x16xf32>
      tpu.vector_store %arg8[%swap3A, %swap3A_53], %swap3A_56 {strides = array<i32>} : memref<80x128xf32, #tpu.memory_space<vmem>>, vector<1x16xf32>,
      %swap3A_57 = arith.index_cast %scan3A_52 : i32 to index
      %swap3A_58 = arith.constant 16 : index
      %swap3A_59 = tpu.vector_load %arg8[%swap3A_57, %swap3A_58] {strides = array<i32>} : memref<80x128xf32, #tpu.memory_space<vmem>>, vector<1x16xf32>,
      %swap3A_60 = vector.shape_cast %swap3A_59 : vector<1x16xf32> to vector<16xf32>
      %swap3A_61 = vector.shape_cast %broadcast_in_dim3A_1 : vector<16xf32> to vector<1x16xf32>
      tpu.vector_store %arg8[%swap3A_57, %swap3A_58], %swap3A_61 {strides = array<i32>} : memref<80x128xf32, #tpu.memory_space<vmem>>, vector<1x16xf32>,
      %swap3A_62 = arith.index_cast %scan3A_52 : i32 to index
      %swap3A_63 = arith.constant 32 : index
      %swap3A_64 = tpu.vector_load %arg8[%swap3A_62, %swap3A_63] {strides = array<i32>} : memref<80x128xf32, #tpu.memory_space<vmem>>, vector<1x16xf32>,
      %swap3A_65 = vector.shape_cast %swap3A_64 : vector<1x16xf32> to vector<16xf32>
      %swap3A_66 = vector.shape_cast %broadcast_in_dim3A_1 : vector<16xf32> to vector<1x16xf32>
      tpu.vector_store %arg8[%swap3A_62, %swap3A_63], %swap3A_66 {strides = array<i32>} : memref<80x128xf32, #tpu.memory_space<vmem>>, vector<1x16xf32>,
      %swap3A_67 = arith.index_cast %scan3A_52 : i32 to index
      %swap3A_68 = arith.constant 48 : index
      %swap3A_69 = tpu.vector_load %arg8[%swap3A_67, %swap3A_68] {strides = array<i32>} : memref<80x128xf32, #tpu.memory_space<vmem>>, vector<1x16xf32>,
      %swap3A_70 = vector.shape_cast %swap3A_69 : vector<1x16xf32> to vector<16xf32>
      %swap3A_71 = vector.shape_cast %broadcast_in_dim3A_1 : vector<16xf32> to vector<1x16xf32>
      tpu.vector_store %arg8[%swap3A_67, %swap3A_68], %swap3A_71 {strides = array<i32>} : memref<80x128xf32, #tpu.memory_space<vmem>>, vector<1x16xf32>,
      %swap3A_72 = arith.index_cast %scan3A_52 : i32 to index
      %swap3A_73 = arith.constant 64 : index
      %swap3A_74 = tpu.vector_load %arg8[%swap3A_72, %swap3A_73] {strides = array<i32>} : memref<80x128xf32, #tpu.memory_space<vmem>>, vector<1x16xf32>,
      %swap3A_75 = vector.shape_cast %swap3A_74 : vector<1x16xf32> to vector<16xf32>
      %swap3A_76 = vector.shape_cast %broadcast_in_dim3A_1 : vector<16xf32> to vector<1x16xf32>
      tpu.vector_store %arg8[%swap3A_72, %swap3A_73], %swap3A_76 {strides = array<i32>} : memref<80x128xf32, #tpu.memory_space<vmem>>, vector<1x16xf32>,
      %swap3A_77 = arith.index_cast %scan3A_52 : i32 to index
      %swap3A_78 = arith.constant 80 : index
      %swap3A_79 = tpu.vector_load %arg8[%swap3A_77, %swap3A_78] {strides = array<i32>} : memref<80x128xf32, #tpu.memory_space<vmem>>, vector<1x16xf32>,
      %swap3A_80 = vector.shape_cast %swap3A_79 : vector<1x16xf32> to vector<16xf32>
      %swap3A_81 = vector.shape_cast %broadcast_in_dim3A_1 : vector<16xf32> to vector<1x16xf32>
      tpu.vector_store %arg8[%swap3A_77, %swap3A_78], %swap3A_81 {strides = array<i32>} : memref<80x128xf32, #tpu.memory_space<vmem>>, vector<1x16xf32>,
      %swap3A_82 = arith.index_cast %scan3A_52 : i32 to index
      %swap3A_83 = arith.constant 96 : index
      %swap3A_84 = tpu.vector_load %arg8[%swap3A_82, %swap3A_83] {strides = array<i32>} : memref<80x128xf32, #tpu.memory_space<vmem>>, vector<1x16xf32>,
      %swap3A_85 = vector.shape_cast %swap3A_84 : vector<1x16xf32> to vector<16xf32>
      %swap3A_86 = vector.shape_cast %broadcast_in_dim3A_1 : vector<16xf32> to vector<1x16xf32>
      tpu.vector_store %arg8[%swap3A_82, %swap3A_83], %swap3A_86 {strides = array<i32>} : memref<80x128xf32, #tpu.memory_space<vmem>>, vector<1x16xf32>,
      %swap3A_87 = arith.index_cast %scan3A_52 : i32 to index
      %swap3A_88 = arith.constant 112 : index
      %swap3A_89 = tpu.vector_load %arg8[%swap3A_87, %swap3A_88] {strides = array<i32>} : memref<80x128xf32, #tpu.memory_space<vmem>>, vector<1x16xf32>,
      %swap3A_90 = vector.shape_cast %swap3A_89 : vector<1x16xf32> to vector<16xf32>
      %swap3A_91 = vector.shape_cast %broadcast_in_dim3A_1 : vector<16xf32> to vector<1x16xf32>
      tpu.vector_store %arg8[%swap3A_87, %swap3A_88], %swap3A_91 {strides = array<i32>} : memref<80x128xf32, #tpu.memory_space<vmem>>, vector<1x16xf32>,
    }
    %scan3A_6 = arith.constant 80 : i32
    %mul3A_7 = arith.constant 640 : i32
    %mul3A_8 = arith.muli %arg1, %mul3A_7 : i32
    %add3A_9 = arith.constant 0 : i32
    %add3A_10 = arith.addi %mul3A_8, %add3A_9 : i32
    "tpu.region"() ({
      %run_scoped3A = tpu.sem_alloc : memref<!tpu.dma_semaphore, #tpu.memory_space<semaphore_mem>>
      %dma_start3A = arith.constant 0 : i32
      %dma_start3A_52 = tpu.memref_slice %arg9[%add3A_10, %dma_start3A] : memref<10240x128xf32, #tpu.memory_space<vmem_shared>> -> memref<80x128xf32, #tpu.memory_space<vmem_shared>>
      %dma_start3A_53 = arith.constant 0 : i32
      %dma_start3A_54 = tpu.memref_slice %arg9[%add3A_10, %dma_start3A_53] : memref<10240x128xf32, #tpu.memory_space<vmem_shared>> -> memref<80x128xf32, #tpu.memory_space<vmem_shared>>
      tpu.enqueue_dma source(%arg8 : memref<80x128xf32, #tpu.memory_space<vmem>>) target(%dma_start3A_54 : memref<80x128xf32, #tpu.memory_space<vmem_shared>>) target_semaphore(%run_scoped3A : memref<!tpu.dma_semaphore, #tpu.memory_space<semaphore_mem>>)
      %dma_wait3A = arith.constant 0 : i32
      %dma_wait3A_55 = tpu.memref_slice %arg9[%add3A_10, %dma_wait3A] : memref<10240x128xf32, #tpu.memory_space<vmem_shared>> -> memref<80x128xf32, #tpu.memory_space<vmem_shared>>
      %dma_wait3A_56 = arith.constant 0 : i32
      %dma_wait3A_57 = tpu.memref_slice %arg9[%add3A_10, %dma_wait3A_56] : memref<10240x128xf32, #tpu.memory_space<vmem_shared>> -> memref<80x128xf32, #tpu.memory_space<vmem_shared>>
      tpu.wait_dma2 semaphore(%run_scoped3A : memref<!tpu.dma_semaphore, #tpu.memory_space<semaphore_mem>>) src(%arg8 : memref<80x128xf32, #tpu.memory_space<vmem>>) dst(%dma_wait3A_57 : memref<80x128xf32, #tpu.memory_space<vmem_shared>>)
      tpu.yield
    }) : () -> ()
    %mul3A_11 = arith.constant 640 : i32
    %mul3A_12 = arith.muli %arg1, %mul3A_11 : i32
    %add3A_13 = arith.constant 80 : i32
    %add3A_14 = arith.addi %mul3A_12, %add3A_13 : i32
    "tpu.region"() ({
      %run_scoped3A = tpu.sem_alloc : memref<!tpu.dma_semaphore, #tpu.memory_space<semaphore_mem>>
      %dma_start3A = arith.constant 0 : i32
      %dma_start3A_52 = tpu.memref_slice %arg9[%add3A_14, %dma_start3A] : memref<10240x128xf32, #tpu.memory_space<vmem_shared>> -> memref<80x128xf32, #tpu.memory_space<vmem_shared>>
      %dma_start3A_53 = arith.constant 0 : i32
      %dma_start3A_54 = tpu.memref_slice %arg9[%add3A_14, %dma_start3A_53] : memref<10240x128xf32, #tpu.memory_space<vmem_shared>> -> memref<80x128xf32, #tpu.memory_space<vmem_shared>>
      tpu.enqueue_dma source(%arg8 : memref<80x128xf32, #tpu.memory_space<vmem>>) target(%dma_start3A_54 : memref<80x128xf32, #tpu.memory_space<vmem_shared>>) target_semaphore(%run_scoped3A : memref<!tpu.dma_semaphore, #tpu.memory_space<semaphore_mem>>)
      %dma_wait3A = arith.constant 0 : i32
      %dma_wait3A_55 = tpu.memref_slice %arg9[%add3A_14, %dma_wait3A] : memref<10240x128xf32, #tpu.memory_space<vmem_shared>> -> memref<80x128xf32, #tpu.memory_space<vmem_shared>>
      %dma_wait3A_56 = arith.constant 0 : i32
      %dma_wait3A_57 = tpu.memref_slice %arg9[%add3A_14, %dma_wait3A_56] : memref<10240x128xf32, #tpu.memory_space<vmem_shared>> -> memref<80x128xf32, #tpu.memory_space<vmem_shared>>
      tpu.wait_dma2 semaphore(%run_scoped3A : memref<!tpu.dma_semaphore, #tpu.memory_space<semaphore_mem>>) src(%arg8 : memref<80x128xf32, #tpu.memory_space<vmem>>) dst(%dma_wait3A_57 : memref<80x128xf32, #tpu.memory_space<vmem_shared>>)
      tpu.yield
    }) : () -> ()
    %mul3A_15 = arith.constant 640 : i32
    %mul3A_16 = arith.muli %arg1, %mul3A_15 : i32
    %add3A_17 = arith.constant 160 : i32
    %add3A_18 = arith.addi %mul3A_16, %add3A_17 : i32
    "tpu.region"() ({
      %run_scoped3A = tpu.sem_alloc : memref<!tpu.dma_semaphore, #tpu.memory_space<semaphore_mem>>
      %dma_start3A = arith.constant 0 : i32
      %dma_start3A_52 = tpu.memref_slice %arg9[%add3A_18, %dma_start3A] : memref<10240x128xf32, #tpu.memory_space<vmem_shared>> -> memref<80x128xf32, #tpu.memory_space<vmem_shared>>
      %dma_start3A_53 = arith.constant 0 : i32
      %dma_start3A_54 = tpu.memref_slice %arg9[%add3A_18, %dma_start3A_53] : memref<10240x128xf32, #tpu.memory_space<vmem_shared>> -> memref<80x128xf32, #tpu.memory_space<vmem_shared>>
      tpu.enqueue_dma source(%arg8 : memref<80x128xf32, #tpu.memory_space<vmem>>) target(%dma_start3A_54 : memref<80x128xf32, #tpu.memory_space<vmem_shared>>) target_semaphore(%run_scoped3A : memref<!tpu.dma_semaphore, #tpu.memory_space<semaphore_mem>>)
      %dma_wait3A = arith.constant 0 : i32
      %dma_wait3A_55 = tpu.memref_slice %arg9[%add3A_18, %dma_wait3A] : memref<10240x128xf32, #tpu.memory_space<vmem_shared>> -> memref<80x128xf32, #tpu.memory_space<vmem_shared>>
      %dma_wait3A_56 = arith.constant 0 : i32
      %dma_wait3A_57 = tpu.memref_slice %arg9[%add3A_18, %dma_wait3A_56] : memref<10240x128xf32, #tpu.memory_space<vmem_shared>> -> memref<80x128xf32, #tpu.memory_space<vmem_shared>>
      tpu.wait_dma2 semaphore(%run_scoped3A : memref<!tpu.dma_semaphore, #tpu.memory_space<semaphore_mem>>) src(%arg8 : memref<80x128xf32, #tpu.memory_space<vmem>>) dst(%dma_wait3A_57 : memref<80x128xf32, #tpu.memory_space<vmem_shared>>)
      tpu.yield
    }) : () -> ()
    %mul3A_19 = arith.constant 640 : i32
    %mul3A_20 = arith.muli %arg1, %mul3A_19 : i32
    %add3A_21 = arith.constant 240 : i32
    %add3A_22 = arith.addi %mul3A_20, %add3A_21 : i32
    "tpu.region"() ({
      %run_scoped3A = tpu.sem_alloc : memref<!tpu.dma_semaphore, #tpu.memory_space<semaphore_mem>>
      %dma_start3A = arith.constant 0 : i32
      %dma_start3A_52 = tpu.memref_slice %arg9[%add3A_22, %dma_start3A] : memref<10240x128xf32, #tpu.memory_space<vmem_shared>> -> memref<80x128xf32, #tpu.memory_space<vmem_shared>>
      %dma_start3A_53 = arith.constant 0 : i32
      %dma_start3A_54 = tpu.memref_slice %arg9[%add3A_22, %dma_start3A_53] : memref<10240x128xf32, #tpu.memory_space<vmem_shared>> -> memref<80x128xf32, #tpu.memory_space<vmem_shared>>
      tpu.enqueue_dma source(%arg8 : memref<80x128xf32, #tpu.memory_space<vmem>>) target(%dma_start3A_54 : memref<80x128xf32, #tpu.memory_space<vmem_shared>>) target_semaphore(%run_scoped3A : memref<!tpu.dma_semaphore, #tpu.memory_space<semaphore_mem>>)
      %dma_wait3A = arith.constant 0 : i32
      %dma_wait3A_55 = tpu.memref_slice %arg9[%add3A_22, %dma_wait3A] : memref<10240x128xf32, #tpu.memory_space<vmem_shared>> -> memref<80x128xf32, #tpu.memory_space<vmem_shared>>
      %dma_wait3A_56 = arith.constant 0 : i32
      %dma_wait3A_57 = tpu.memref_slice %arg9[%add3A_22, %dma_wait3A_56] : memref<10240x128xf32, #tpu.memory_space<vmem_shared>> -> memref<80x128xf32, #tpu.memory_space<vmem_shared>>
      tpu.wait_dma2 semaphore(%run_scoped3A : memref<!tpu.dma_semaphore, #tpu.memory_space<semaphore_mem>>) src(%arg8 : memref<80x128xf32, #tpu.memory_space<vmem>>) dst(%dma_wait3A_57 : memref<80x128xf32, #tpu.memory_space<vmem_shared>>)
      tpu.yield
    }) : () -> ()
    %mul3A_23 = arith.constant 640 : i32
    %mul3A_24 = arith.muli %arg1, %mul3A_23 : i32
    %add3A_25 = arith.constant 320 : i32
    %add3A_26 = arith.addi %mul3A_24, %add3A_25 : i32
    "tpu.region"() ({
      %run_scoped3A = tpu.sem_alloc : memref<!tpu.dma_semaphore, #tpu.memory_space<semaphore_mem>>
      %dma_start3A = arith.constant 0 : i32
      %dma_start3A_52 = tpu.memref_slice %arg9[%add3A_26, %dma_start3A] : memref<10240x128xf32, #tpu.memory_space<vmem_shared>> -> memref<80x128xf32, #tpu.memory_space<vmem_shared>>
      %dma_start3A_53 = arith.constant 0 : i32
      %dma_start3A_54 = tpu.memref_slice %arg9[%add3A_26, %dma_start3A_53] : memref<10240x128xf32, #tpu.memory_space<vmem_shared>> -> memref<80x128xf32, #tpu.memory_space<vmem_shared>>
      tpu.enqueue_dma source(%arg8 : memref<80x128xf32, #tpu.memory_space<vmem>>) target(%dma_start3A_54 : memref<80x128xf32, #tpu.memory_space<vmem_shared>>) target_semaphore(%run_scoped3A : memref<!tpu.dma_semaphore, #tpu.memory_space<semaphore_mem>>)
      %dma_wait3A = arith.constant 0 : i32
      %dma_wait3A_55 = tpu.memref_slice %arg9[%add3A_26, %dma_wait3A] : memref<10240x128xf32, #tpu.memory_space<vmem_shared>> -> memref<80x128xf32, #tpu.memory_space<vmem_shared>>
      %dma_wait3A_56 = arith.constant 0 : i32
      %dma_wait3A_57 = tpu.memref_slice %arg9[%add3A_26, %dma_wait3A_56] : memref<10240x128xf32, #tpu.memory_space<vmem_shared>> -> memref<80x128xf32, #tpu.memory_space<vmem_shared>>
      tpu.wait_dma2 semaphore(%run_scoped3A : memref<!tpu.dma_semaphore, #tpu.memory_space<semaphore_mem>>) src(%arg8 : memref<80x128xf32, #tpu.memory_space<vmem>>) dst(%dma_wait3A_57 : memref<80x128xf32, #tpu.memory_space<vmem_shared>>)
      tpu.yield
    }) : () -> ()
    %mul3A_27 = arith.constant 640 : i32
    %mul3A_28 = arith.muli %arg1, %mul3A_27 : i32
    %add3A_29 = arith.constant 400 : i32
    %add3A_30 = arith.addi %mul3A_28, %add3A_29 : i32
    "tpu.region"() ({
      %run_scoped3A = tpu.sem_alloc : memref<!tpu.dma_semaphore, #tpu.memory_space<semaphore_mem>>
      %dma_start3A = arith.constant 0 : i32
      %dma_start3A_52 = tpu.memref_slice %arg9[%add3A_30, %dma_start3A] : memref<10240x128xf32, #tpu.memory_space<vmem_shared>> -> memref<80x128xf32, #tpu.memory_space<vmem_shared>>
      %dma_start3A_53 = arith.constant 0 : i32
      %dma_start3A_54 = tpu.memref_slice %arg9[%add3A_30, %dma_start3A_53] : memref<10240x128xf32, #tpu.memory_space<vmem_shared>> -> memref<80x128xf32, #tpu.memory_space<vmem_shared>>
      tpu.enqueue_dma source(%arg8 : memref<80x128xf32, #tpu.memory_space<vmem>>) target(%dma_start3A_54 : memref<80x128xf32, #tpu.memory_space<vmem_shared>>) target_semaphore(%run_scoped3A : memref<!tpu.dma_semaphore, #tpu.memory_space<semaphore_mem>>)
      %dma_wait3A = arith.constant 0 : i32
      %dma_wait3A_55 = tpu.memref_slice %arg9[%add3A_30, %dma_wait3A] : memref<10240x128xf32, #tpu.memory_space<vmem_shared>> -> memref<80x128xf32, #tpu.memory_space<vmem_shared>>
      %dma_wait3A_56 = arith.constant 0 : i32
      %dma_wait3A_57 = tpu.memref_slice %arg9[%add3A_30, %dma_wait3A_56] : memref<10240x128xf32, #tpu.memory_space<vmem_shared>> -> memref<80x128xf32, #tpu.memory_space<vmem_shared>>
      tpu.wait_dma2 semaphore(%run_scoped3A : memref<!tpu.dma_semaphore, #tpu.memory_space<semaphore_mem>>) src(%arg8 : memref<80x128xf32, #tpu.memory_space<vmem>>) dst(%dma_wait3A_57 : memref<80x128xf32, #tpu.memory_space<vmem_shared>>)
      tpu.yield
    }) : () -> ()
    %mul3A_31 = arith.constant 640 : i32
    %mul3A_32 = arith.muli %arg1, %mul3A_31 : i32
    %add3A_33 = arith.constant 480 : i32
    %add3A_34 = arith.addi %mul3A_32, %add3A_33 : i32
    "tpu.region"() ({
      %run_scoped3A = tpu.sem_alloc : memref<!tpu.dma_semaphore, #tpu.memory_space<semaphore_mem>>
      %dma_start3A = arith.constant 0 : i32
      %dma_start3A_52 = tpu.memref_slice %arg9[%add3A_34, %dma_start3A] : memref<10240x128xf32, #tpu.memory_space<vmem_shared>> -> memref<80x128xf32, #tpu.memory_space<vmem_shared>>
      %dma_start3A_53 = arith.constant 0 : i32
      %dma_start3A_54 = tpu.memref_slice %arg9[%add3A_34, %dma_start3A_53] : memref<10240x128xf32, #tpu.memory_space<vmem_shared>> -> memref<80x128xf32, #tpu.memory_space<vmem_shared>>
      tpu.enqueue_dma source(%arg8 : memref<80x128xf32, #tpu.memory_space<vmem>>) target(%dma_start3A_54 : memref<80x128xf32, #tpu.memory_space<vmem_shared>>) target_semaphore(%run_scoped3A : memref<!tpu.dma_semaphore, #tpu.memory_space<semaphore_mem>>)
      %dma_wait3A = arith.constant 0 : i32
      %dma_wait3A_55 = tpu.memref_slice %arg9[%add3A_34, %dma_wait3A] : memref<10240x128xf32, #tpu.memory_space<vmem_shared>> -> memref<80x128xf32, #tpu.memory_space<vmem_shared>>
      %dma_wait3A_56 = arith.constant 0 : i32
      %dma_wait3A_57 = tpu.memref_slice %arg9[%add3A_34, %dma_wait3A_56] : memref<10240x128xf32, #tpu.memory_space<vmem_shared>> -> memref<80x128xf32, #tpu.memory_space<vmem_shared>>
      tpu.wait_dma2 semaphore(%run_scoped3A : memref<!tpu.dma_semaphore, #tpu.memory_space<semaphore_mem>>) src(%arg8 : memref<80x128xf32, #tpu.memory_space<vmem>>) dst(%dma_wait3A_57 : memref<80x128xf32, #tpu.memory_space<vmem_shared>>)
      tpu.yield
    }) : () -> ()
    %mul3A_35 = arith.constant 640 : i32
    %mul3A_36 = arith.muli %arg1, %mul3A_35 : i32
    %add3A_37 = arith.constant 560 : i32
    %add3A_38 = arith.addi %mul3A_36, %add3A_37 : i32
    "tpu.region"() ({
      %run_scoped3A = tpu.sem_alloc : memref<!tpu.dma_semaphore, #tpu.memory_space<semaphore_mem>>
      %dma_start3A = arith.constant 0 : i32
      %dma_start3A_52 = tpu.memref_slice %arg9[%add3A_38, %dma_start3A] : memref<10240x128xf32, #tpu.memory_space<vmem_shared>> -> memref<80x128xf32, #tpu.memory_space<vmem_shared>>
      %dma_start3A_53 = arith.constant 0 : i32
      %dma_start3A_54 = tpu.memref_slice %arg9[%add3A_38, %dma_start3A_53] : memref<10240x128xf32, #tpu.memory_space<vmem_shared>> -> memref<80x128xf32, #tpu.memory_space<vmem_shared>>
      tpu.enqueue_dma source(%arg8 : memref<80x128xf32, #tpu.memory_space<vmem>>) target(%dma_start3A_54 : memref<80x128xf32, #tpu.memory_space<vmem_shared>>) target_semaphore(%run_scoped3A : memref<!tpu.dma_semaphore, #tpu.memory_space<semaphore_mem>>)
      %dma_wait3A = arith.constant 0 : i32
      %dma_wait3A_55 = tpu.memref_slice %arg9[%add3A_38, %dma_wait3A] : memref<10240x128xf32, #tpu.memory_space<vmem_shared>> -> memref<80x128xf32, #tpu.memory_space<vmem_shared>>
      %dma_wait3A_56 = arith.constant 0 : i32
      %dma_wait3A_57 = tpu.memref_slice %arg9[%add3A_38, %dma_wait3A_56] : memref<10240x128xf32, #tpu.memory_space<vmem_shared>> -> memref<80x128xf32, #tpu.memory_space<vmem_shared>>
      tpu.wait_dma2 semaphore(%run_scoped3A : memref<!tpu.dma_semaphore, #tpu.memory_space<semaphore_mem>>) src(%arg8 : memref<80x128xf32, #tpu.memory_space<vmem>>) dst(%dma_wait3A_57 : memref<80x128xf32, #tpu.memory_space<vmem_shared>>)
      tpu.yield
    }) : () -> ()
    %barrier3A = arith.constant 0 : index
    tpu.barrier barrier_id(%barrier3A)
    %mul3A_39 = arith.constant 10000 : i32
    %mul3A_40 = arith.muli %add3A, %mul3A_39 : i32
    %scan3A_41 = arith.constant 0 : i32
    %scan3A_42 = arith.constant 0 : i32
    %scan3A_43 = arith.constant 125 : i32
    %scan3A_44 = arith.addi %scan3A_42, %scan3A_43 : i32
    %scan3A_45 = arith.constant 1 : i32
    scf.for %scan3A_52 = %scan3A_42 to %scan3A_44 step %scan3A_45  : i32 {
      %mul3A_53 = arith.constant 80 : i32
      %mul3A_54 = arith.muli %scan3A_52, %mul3A_53 : i32
      %add3A_55 = arith.addi %mul3A_40, %mul3A_54 : i32
      "tpu.region"() ({
        %run_scoped3A = tpu.sem_alloc : memref<!tpu.dma_semaphore, #tpu.memory_space<semaphore_mem>>
        %dma_start3A = tpu.memref_slice %arg3[%add3A_55] : memref<320000xi32, #tpu.memory_space<hbm>> -> memref<80xi32, #tpu.memory_space<hbm>>
        %dma_start3A_56 = tpu.memref_slice %arg3[%add3A_55] : memref<320000xi32, #tpu.memory_space<hbm>> -> memref<80xi32, #tpu.memory_space<hbm>>
        tpu.enqueue_dma source(%dma_start3A_56 : memref<80xi32, #tpu.memory_space<hbm>>) target(%arg6 : memref<80xi32, #tpu.memory_space<vmem>>) target_semaphore(%run_scoped3A : memref<!tpu.dma_semaphore, #tpu.memory_space<semaphore_mem>>)
        %dma_wait3A = tpu.memref_slice %arg3[%add3A_55] : memref<320000xi32, #tpu.memory_space<hbm>> -> memref<80xi32, #tpu.memory_space<hbm>>
        %dma_wait3A_57 = tpu.memref_slice %arg3[%add3A_55] : memref<320000xi32, #tpu.memory_space<hbm>> -> memref<80xi32, #tpu.memory_space<hbm>>
        tpu.wait_dma2 semaphore(%run_scoped3A : memref<!tpu.dma_semaphore, #tpu.memory_space<semaphore_mem>>) src(%dma_wait3A_57 : memref<80xi32, #tpu.memory_space<hbm>>) dst(%arg6 : memref<80xi32, #tpu.memory_space<vmem>>)
        tpu.yield
      }) : () -> ()
      "tpu.region"() ({
        %run_scoped3A = tpu.sem_alloc : memref<!tpu.dma_semaphore, #tpu.memory_space<semaphore_mem>>
        %dma_start3A = tpu.memref_slice %arg4[%add3A_55] : memref<320000xi32, #tpu.memory_space<hbm>> -> memref<80xi32, #tpu.memory_space<hbm>>
        %dma_start3A_56 = tpu.memref_slice %arg4[%add3A_55] : memref<320000xi32, #tpu.memory_space<hbm>> -> memref<80xi32, #tpu.memory_space<hbm>>
        tpu.enqueue_dma source(%dma_start3A_56 : memref<80xi32, #tpu.memory_space<hbm>>) target(%arg7 : memref<80xi32, #tpu.memory_space<vmem>>) target_semaphore(%run_scoped3A : memref<!tpu.dma_semaphore, #tpu.memory_space<semaphore_mem>>)
        %dma_wait3A = tpu.memref_slice %arg4[%add3A_55] : memref<320000xi32, #tpu.memory_space<hbm>> -> memref<80xi32, #tpu.memory_space<hbm>>
        %dma_wait3A_57 = tpu.memref_slice %arg4[%add3A_55] : memref<320000xi32, #tpu.memory_space<hbm>> -> memref<80xi32, #tpu.memory_space<hbm>>
        tpu.wait_dma2 semaphore(%run_scoped3A : memref<!tpu.dma_semaphore, #tpu.memory_space<semaphore_mem>>) src(%dma_wait3A_57 : memref<80xi32, #tpu.memory_space<hbm>>) dst(%arg7 : memref<80xi32, #tpu.memory_space<vmem>>)
        tpu.yield
      }) : () -> ()
      "tpu.region"() ({
        %run_scoped3A = tpu.sem_alloc : memref<!tpu.dma_semaphore, #tpu.memory_space<semaphore_mem>>
        %dma_start3A = arith.constant 0 : i32
        %dma_start3A_56 = arith.constant 0 : i32
        %dma_start3A_57 = tpu.memref_slice %arg2[%dma_start3A, %dma_start3A_56] : memref<10000x128xf32, #tpu.memory_space<hbm>> -> memref<10000x128xf32, #tpu.memory_space<hbm>>
        tpu.enqueue_indirect_dma source(%dma_start3A_57 : memref<10000x128xf32, #tpu.memory_space<hbm>>) target(%arg8 : memref<80x128xf32, #tpu.memory_space<vmem>>) offsets(%arg6 : memref<80xi32, #tpu.memory_space<vmem>>) semaphore(%run_scoped3A : memref<!tpu.dma_semaphore, #tpu.memory_space<semaphore_mem>>)
        %dma_wait3A = arith.constant 0 : i32
        %dma_wait3A_58 = arith.constant 0 : i32
        %dma_wait3A_59 = tpu.memref_slice %arg2[%dma_wait3A, %dma_wait3A_58] : memref<10000x128xf32, #tpu.memory_space<hbm>> -> memref<10000x128xf32, #tpu.memory_space<hbm>>
        tpu.wait_indirect_dma semaphore(%run_scoped3A : memref<!tpu.dma_semaphore, #tpu.memory_space<semaphore_mem>>) src(%dma_wait3A_59 : memref<10000x128xf32, #tpu.memory_space<hbm>>) dst(%arg8 : memref<80x128xf32, #tpu.memory_space<vmem>>)
        tpu.yield
      }) : () -> ()
      "tpu.region"() ({
        %run_scoped3A = tpu.sem_alloc : memref<!tpu.dma_semaphore, #tpu.memory_space<semaphore_mem>>
        %dma_start3A = arith.constant 0 : i32
        %dma_start3A_56 = arith.constant 0 : i32
        %dma_start3A_57 = tpu.memref_slice %arg9[%dma_start3A, %dma_start3A_56] : memref<10240x128xf32, #tpu.memory_space<vmem_shared>> -> memref<10240x128xf32, #tpu.memory_space<vmem_shared>>
        tpu.enqueue_indirect_dma source(%arg8 : memref<80x128xf32, #tpu.memory_space<vmem>>) target(%dma_start3A_57 : memref<10240x128xf32, #tpu.memory_space<vmem_shared>>) offsets(%arg7 : memref<80xi32, #tpu.memory_space<vmem>>) semaphore(%run_scoped3A : memref<!tpu.dma_semaphore, #tpu.memory_space<semaphore_mem>>) {add = true}
        %dma_wait3A = arith.constant 0 : i32
        %dma_wait3A_58 = arith.constant 0 : i32
        %dma_wait3A_59 = tpu.memref_slice %arg9[%dma_wait3A, %dma_wait3A_58] : memref<10240x128xf32, #tpu.memory_space<vmem_shared>> -> memref<10240x128xf32, #tpu.memory_space<vmem_shared>>
        tpu.wait_indirect_dma semaphore(%run_scoped3A : memref<!tpu.dma_semaphore, #tpu.memory_space<semaphore_mem>>) src(%arg8 : memref<80x128xf32, #tpu.memory_space<vmem>>) dst(%dma_wait3A_59 : memref<10240x128xf32, #tpu.memory_space<vmem_shared>>)
        tpu.yield
      }) : () -> ()
    }
    %scan3A_46 = arith.constant 125 : i32
    %barrier3A_47 = arith.constant 0 : index
    tpu.barrier barrier_id(%barrier3A_47)
    %mul3A_48 = arith.constant 640 : i32
    %mul3A_49 = arith.muli %arg1, %mul3A_48 : i32
    %mul3A_50 = arith.constant 640 : i32
    %mul3A_51 = arith.muli %arg1, %mul3A_50 : i32
    "tpu.region"() ({
      %run_scoped3A = tpu.sem_alloc : memref<!tpu.dma_semaphore, #tpu.memory_space<semaphore_mem>>
      %dma_start3A = arith.constant 0 : i32
      %dma_start3A_52 = tpu.memref_slice %arg5[%arg0, %mul3A_51, %dma_start3A] : memref<2x10240x128xf32, #tpu.memory_space<hbm>> -> memref<1x640x128xf32, #tpu.memory_space<hbm>>
      %dma_start3A_53 = tpu.memref_squeeze %dma_start3A_52 : memref<1x640x128xf32, #tpu.memory_space<hbm>> -> memref<640x128xf32, #tpu.memory_space<hbm>>
      %dma_start3A_54 = arith.constant 0 : i32
      %dma_start3A_55 = tpu.memref_slice %arg9[%mul3A_49, %dma_start3A_54] : memref<10240x128xf32, #tpu.memory_space<vmem_shared>> -> memref<640x128xf32, #tpu.memory_space<vmem_shared>>
      tpu.enqueue_dma source(%dma_start3A_55 : memref<640x128xf32, #tpu.memory_space<vmem_shared>>) target(%dma_start3A_53 : memref<640x128xf32, #tpu.memory_space<hbm>>) target_semaphore(%run_scoped3A : memref<!tpu.dma_semaphore, #tpu.memory_space<semaphore_mem>>)
      %dma_wait3A = arith.constant 0 : i32
      %dma_wait3A_56 = tpu.memref_slice %arg5[%arg0, %mul3A_51, %dma_wait3A] : memref<2x10240x128xf32, #tpu.memory_space<hbm>> -> memref<1x640x128xf32, #tpu.memory_space<hbm>>
      %dma_wait3A_57 = tpu.memref_squeeze %dma_wait3A_56 : memref<1x640x128xf32, #tpu.memory_space<hbm>> -> memref<640x128xf32, #tpu.memory_space<hbm>>
      %dma_wait3A_58 = arith.constant 0 : i32
      %dma_wait3A_59 = tpu.memref_slice %arg9[%mul3A_49, %dma_wait3A_58] : memref<10240x128xf32, #tpu.memory_space<vmem_shared>> -> memref<640x128xf32, #tpu.memory_space<vmem_shared>>
      tpu.wait_dma2 semaphore(%run_scoped3A : memref<!tpu.dma_semaphore, #tpu.memory_space<semaphore_mem>>) src(%dma_wait3A_59 : memref<640x128xf32, #tpu.memory_space<vmem_shared>>) dst(%dma_wait3A_57 : memref<640x128xf32, #tpu.memory_space<hbm>>)
      tpu.yield
    }) : () -> ()
    return
  }
}

module attributes {stable_mosaic.version = 14 : i64} {
  func.func @_mm1_body(%arg0: i32, %arg1: memref<1000x128xf32, #tpu.memory_space<vmem>>, %arg2: memref<128x64xf32, #tpu.memory_space<vmem>>, %arg3: memref<1000x128xf32, #tpu.memory_space<vmem>>, %arg4: memref<1000x128xf32, #tpu.memory_space<vmem>>) attributes {dimension_semantics = [#tpu.dimension_semantics<arbitrary>], iteration_bounds = array<i64: 10>, scalar_prefetch = 0 : i64, scratch_operands = 0 : i64, tpu.core_type = #tpu.core_type<tc>, window_params = [{transform_indices = @transform_0, window_bounds = array<i64: 1000, 128>}, {pipeline_mode = #tpu.pipeline_mode<synchronous>, transform_indices = @transform_1, window_bounds = array<i64: 128, 64>}, {transform_indices = @transform_2, window_bounds = array<i64: 1000, 128>}, {transform_indices = @transform_3, window_bounds = array<i64: 1000, 128>}]} {
    %get3A = arith.constant 0 : index
    %get3A_0 = arith.constant 0 : index
    %get3A_1 = vector.load %arg1[%get3A, %get3A_0] : memref<1000x128xf32, #tpu.memory_space<vmem>>, vector<1000x128xf32>
    %get3A_2 = arith.constant 0 : index
    %get3A_3 = arith.constant 0 : index
    %get3A_4 = vector.load %arg2[%get3A_2, %get3A_3] : memref<128x64xf32, #tpu.memory_space<vmem>>, vector<128x64xf32>
    %dot_general3A = arith.constant dense<0.000000e+00> : vector<1000x64xf32>
    %dot_general3A_5 = tpu.matmul %get3A_1, %get3A_4, %dot_general3A {dimension_numbers = #tpu.dot_dimension_numbers<[1], [0], [0], [1], [0, 0, 1, 1], [], []>, transpose_lhs_hint = false} : vector<1000x128xf32>, vector<128x64xf32>, vector<1000x64xf32> -> vector<1000x64xf32>
    %get3A_6 = arith.constant 0 : index
    %get3A_7 = arith.constant 0 : index
    %get3A_8 = vector.load %arg3[%get3A_6, %get3A_7] : memref<1000x128xf32, #tpu.memory_space<vmem>>, vector<1000x64xf32>
    %mul3A = arith.mulf %dot_general3A_5, %get3A_8 : vector<1000x64xf32>
    %swap3A = arith.constant 0 : index
    %swap3A_9 = arith.constant 0 : index
    %swap3A_10 = vector.load %arg4[%swap3A, %swap3A_9] : memref<1000x128xf32, #tpu.memory_space<vmem>>, vector<1000x64xf32>
    tpu.vector_store %arg4[%swap3A, %swap3A_9], %mul3A {strides = array<i32>} : memref<1000x128xf32, #tpu.memory_space<vmem>>, vector<1000x64xf32>,
    %broadcast_in_dim3A = arith.constant 0.000000e+00 : f32
    %broadcast_in_dim3A_11 = vector.broadcast %broadcast_in_dim3A : f32 to vector<1000x64xf32>
    %swap3A_12 = arith.constant 0 : index
    %swap3A_13 = arith.constant 64 : index
    %swap3A_14 = vector.load %arg4[%swap3A_12, %swap3A_13] : memref<1000x128xf32, #tpu.memory_space<vmem>>, vector<1000x64xf32>
    tpu.vector_store %arg4[%swap3A_12, %swap3A_13], %broadcast_in_dim3A_11 {strides = array<i32>} : memref<1000x128xf32, #tpu.memory_space<vmem>>, vector<1000x64xf32>,
    return
  }
  func.func @transform_0(%arg0: i32) -> (i32, i32) {
    %c0_i32 = arith.constant 0 : i32
    %c0_i32_0 = arith.constant 0 : i32
    return %arg0, %c0_i32 : i32, i32
  }
  func.func @transform_1(%arg0: i32) -> (i32, i32) {
    %c0_i32 = arith.constant 0 : i32
    %c0_i32_0 = arith.constant 0 : i32
    %c0_i32_1 = arith.constant 0 : i32
    return %c0_i32, %c0_i32_0 : i32, i32
  }
  func.func @transform_2(%arg0: i32) -> (i32, i32) {
    %c0_i32 = arith.constant 0 : i32
    %c0_i32_0 = arith.constant 0 : i32
    return %arg0, %c0_i32 : i32, i32
  }
  func.func @transform_3(%arg0: i32) -> (i32, i32) {
    %c0_i32 = arith.constant 0 : i32
    %c0_i32_0 = arith.constant 0 : i32
    return %arg0, %c0_i32 : i32, i32
  }
}

module attributes {stable_mosaic.version = 14 : i64} {
  func.func @_mid_body(%arg0: i32, %arg1: memref<2x1000x128xf32, #tpu.memory_space<vmem>>, %arg2: memref<1000x128xf32, #tpu.memory_space<vmem>>, %arg3: memref<1000x128xf32, #tpu.memory_space<vmem>>, %arg4: memref<1x64xf32, #tpu.memory_space<vmem>>, %arg5: memref<64x128xf32, #tpu.memory_space<vmem>>, %arg6: memref<1000x128xf32, #tpu.memory_space<vmem>>) attributes {dimension_semantics = [#tpu.dimension_semantics<arbitrary>], iteration_bounds = array<i64: 10>, scalar_prefetch = 0 : i64, scratch_operands = 0 : i64, tpu.core_type = #tpu.core_type<tc>, window_params = [{transform_indices = @transform_0, window_bounds = array<i64: 2, 1000, 128>}, {transform_indices = @transform_1, window_bounds = array<i64: 1000, 128>}, {transform_indices = @transform_2, window_bounds = array<i64: 1000, 128>}, {pipeline_mode = #tpu.pipeline_mode<synchronous>, transform_indices = @transform_3, window_bounds = array<i64: 1, 64>}, {pipeline_mode = #tpu.pipeline_mode<synchronous>, transform_indices = @transform_4, window_bounds = array<i64: 64, 128>}, {transform_indices = @transform_5, window_bounds = array<i64: 1000, 128>}]} {
    %get3A = arith.constant 0 : index
    %get3A_0 = arith.constant 0 : index
    %get3A_1 = vector.load %arg3[%get3A, %get3A_0] : memref<1000x128xf32, #tpu.memory_space<vmem>>, vector<1000x64xf32>
    %get3A_2 = arith.constant 0 : index
    %get3A_3 = arith.constant 0 : index
    %get3A_4 = arith.constant 0 : index
    %get3A_5 = vector.load %arg1[%get3A_2, %get3A_3, %get3A_4] : memref<2x1000x128xf32, #tpu.memory_space<vmem>>, vector<1x1000x64xf32>
    %get3A_6 = vector.shape_cast %get3A_5 : vector<1x1000x64xf32> to vector<1000x64xf32>
    %get3A_7 = arith.constant 1 : index
    %get3A_8 = arith.constant 0 : index
    %get3A_9 = arith.constant 0 : index
    %get3A_10 = vector.load %arg1[%get3A_7, %get3A_8, %get3A_9] : memref<2x1000x128xf32, #tpu.memory_space<vmem>>, vector<1x1000x64xf32>
    %get3A_11 = vector.shape_cast %get3A_10 : vector<1x1000x64xf32> to vector<1000x64xf32>
    %add3A = arith.addf %get3A_6, %get3A_11 : vector<1000x64xf32>
    %get3A_12 = arith.constant 0 : index
    %get3A_13 = arith.constant 0 : index
    %get3A_14 = vector.load %arg2[%get3A_12, %get3A_13] : memref<1000x128xf32, #tpu.memory_space<vmem>>, vector<1000x64xf32>
    %add3A_15 = arith.addf %add3A, %get3A_14 : vector<1000x64xf32>
    %mul3A = arith.mulf %add3A_15, %get3A_1 : vector<1000x64xf32>
    %get3A_16 = arith.constant 0 : index
    %get3A_17 = arith.constant 0 : index
    %get3A_18 = vector.load %arg4[%get3A_16, %get3A_17] : memref<1x64xf32, #tpu.memory_space<vmem>>, vector<1x64xf32>
    %add3A_19 = vector.broadcast %get3A_18 : vector<1x64xf32> to vector<1000x64xf32>
    %add3A_20 = arith.addf %mul3A, %add3A_19 : vector<1000x64xf32>
    %max3A = arith.constant 0.000000e+00 : f32
    %max3A_21 = vector.broadcast %max3A : f32 to vector<1000x64xf32>
    %max3A_22 = arith.maximumf %add3A_20, %max3A_21 : vector<1000x64xf32>
    %get3A_23 = arith.constant 0 : index
    %get3A_24 = arith.constant 0 : index
    %get3A_25 = vector.load %arg5[%get3A_23, %get3A_24] : memref<64x128xf32, #tpu.memory_space<vmem>>, vector<64x128xf32>
    %dot_general3A = arith.constant dense<0.000000e+00> : vector<1000x128xf32>
    %dot_general3A_26 = tpu.matmul %max3A_22, %get3A_25, %dot_general3A {dimension_numbers = #tpu.dot_dimension_numbers<[1], [0], [0], [1], [0, 0, 1, 1], [], []>, transpose_lhs_hint = false} : vector<1000x64xf32>, vector<64x128xf32>, vector<1000x128xf32> -> vector<1000x128xf32>
    %get3A_27 = arith.constant 0 : index
    %get3A_28 = arith.constant 0 : index
    %get3A_29 = vector.load %arg3[%get3A_27, %get3A_28] : memref<1000x128xf32, #tpu.memory_space<vmem>>, vector<1000x128xf32>
    %mul3A_30 = arith.mulf %dot_general3A_26, %get3A_29 : vector<1000x128xf32>
    %swap3A = arith.constant 0 : index
    %swap3A_31 = arith.constant 0 : index
    %swap3A_32 = vector.load %arg6[%swap3A, %swap3A_31] : memref<1000x128xf32, #tpu.memory_space<vmem>>, vector<1000x128xf32>
    tpu.vector_store %arg6[%swap3A, %swap3A_31], %mul3A_30 {strides = array<i32>} : memref<1000x128xf32, #tpu.memory_space<vmem>>, vector<1000x128xf32>,
    return
  }
  func.func @transform_0(%arg0: i32) -> (i32, i32, i32) {
    %c0_i32 = arith.constant 0 : i32
    %c0_i32_0 = arith.constant 0 : i32
    %c0_i32_1 = arith.constant 0 : i32
    return %c0_i32, %arg0, %c0_i32_0 : i32, i32, i32
  }
  func.func @transform_1(%arg0: i32) -> (i32, i32) {
    %c0_i32 = arith.constant 0 : i32
    %c0_i32_0 = arith.constant 0 : i32
    return %arg0, %c0_i32 : i32, i32
  }
  func.func @transform_2(%arg0: i32) -> (i32, i32) {
    %c0_i32 = arith.constant 0 : i32
    %c0_i32_0 = arith.constant 0 : i32
    return %arg0, %c0_i32 : i32, i32
  }
  func.func @transform_3(%arg0: i32) -> (i32, i32) {
    %c0_i32 = arith.constant 0 : i32
    %c0_i32_0 = arith.constant 0 : i32
    %c0_i32_1 = arith.constant 0 : i32
    return %c0_i32, %c0_i32_0 : i32, i32
  }
  func.func @transform_4(%arg0: i32) -> (i32, i32) {
    %c0_i32 = arith.constant 0 : i32
    %c0_i32_0 = arith.constant 0 : i32
    %c0_i32_1 = arith.constant 0 : i32
    return %c0_i32, %c0_i32_0 : i32, i32
  }
  func.func @transform_5(%arg0: i32) -> (i32, i32) {
    %c0_i32 = arith.constant 0 : i32
    %c0_i32_0 = arith.constant 0 : i32
    return %arg0, %c0_i32 : i32, i32
  }
}

module attributes {stable_mosaic.version = 14 : i64} {
  func.func @_out_body(%arg0: i32, %arg1: memref<2x1000x128xf32, #tpu.memory_space<vmem>>, %arg2: memref<1000x128xf32, #tpu.memory_space<vmem>>, %arg3: memref<1000x128xf32, #tpu.memory_space<vmem>>, %arg4: memref<1x128xf32, #tpu.memory_space<vmem>>, %arg5: memref<1000x128xf32, #tpu.memory_space<vmem>>) attributes {dimension_semantics = [#tpu.dimension_semantics<arbitrary>], iteration_bounds = array<i64: 10>, scalar_prefetch = 0 : i64, scratch_operands = 0 : i64, tpu.core_type = #tpu.core_type<tc>, window_params = [{transform_indices = @transform_0, window_bounds = array<i64: 2, 1000, 128>}, {transform_indices = @transform_1, window_bounds = array<i64: 1000, 128>}, {transform_indices = @transform_2, window_bounds = array<i64: 1000, 128>}, {pipeline_mode = #tpu.pipeline_mode<synchronous>, transform_indices = @transform_3, window_bounds = array<i64: 1, 128>}, {transform_indices = @transform_4, window_bounds = array<i64: 1000, 128>}]} {
    %get3A = arith.constant 0 : index
    %get3A_0 = arith.constant 0 : index
    %get3A_1 = arith.constant 0 : index
    %get3A_2 = vector.load %arg1[%get3A, %get3A_0, %get3A_1] : memref<2x1000x128xf32, #tpu.memory_space<vmem>>, vector<1x1000x128xf32>
    %get3A_3 = vector.shape_cast %get3A_2 : vector<1x1000x128xf32> to vector<1000x128xf32>
    %get3A_4 = arith.constant 1 : index
    %get3A_5 = arith.constant 0 : index
    %get3A_6 = arith.constant 0 : index
    %get3A_7 = vector.load %arg1[%get3A_4, %get3A_5, %get3A_6] : memref<2x1000x128xf32, #tpu.memory_space<vmem>>, vector<1x1000x128xf32>
    %get3A_8 = vector.shape_cast %get3A_7 : vector<1x1000x128xf32> to vector<1000x128xf32>
    %add3A = arith.addf %get3A_3, %get3A_8 : vector<1000x128xf32>
    %get3A_9 = arith.constant 0 : index
    %get3A_10 = arith.constant 0 : index
    %get3A_11 = vector.load %arg2[%get3A_9, %get3A_10] : memref<1000x128xf32, #tpu.memory_space<vmem>>, vector<1000x128xf32>
    %add3A_12 = arith.addf %add3A, %get3A_11 : vector<1000x128xf32>
    %get3A_13 = arith.constant 0 : index
    %get3A_14 = arith.constant 0 : index
    %get3A_15 = vector.load %arg3[%get3A_13, %get3A_14] : memref<1000x128xf32, #tpu.memory_space<vmem>>, vector<1000x128xf32>
    %mul3A = arith.mulf %add3A_12, %get3A_15 : vector<1000x128xf32>
    %get3A_16 = arith.constant 0 : index
    %get3A_17 = arith.constant 0 : index
    %get3A_18 = vector.load %arg4[%get3A_16, %get3A_17] : memref<1x128xf32, #tpu.memory_space<vmem>>, vector<1x128xf32>
    %add3A_19 = vector.broadcast %get3A_18 : vector<1x128xf32> to vector<1000x128xf32>
    %add3A_20 = arith.addf %mul3A, %add3A_19 : vector<1000x128xf32>
    %swap3A = arith.constant 0 : index
    %swap3A_21 = arith.constant 0 : index
    %swap3A_22 = vector.load %arg5[%swap3A, %swap3A_21] : memref<1000x128xf32, #tpu.memory_space<vmem>>, vector<1000x128xf32>
    tpu.vector_store %arg5[%swap3A, %swap3A_21], %add3A_20 {strides = array<i32>} : memref<1000x128xf32, #tpu.memory_space<vmem>>, vector<1000x128xf32>,
    return
  }
  func.func @transform_0(%arg0: i32) -> (i32, i32, i32) {
    %c0_i32 = arith.constant 0 : i32
    %c0_i32_0 = arith.constant 0 : i32
    %c0_i32_1 = arith.constant 0 : i32
    return %c0_i32, %arg0, %c0_i32_0 : i32, i32, i32
  }
  func.func @transform_1(%arg0: i32) -> (i32, i32) {
    %c0_i32 = arith.constant 0 : i32
    %c0_i32_0 = arith.constant 0 : i32
    return %arg0, %c0_i32 : i32, i32
  }
  func.func @transform_2(%arg0: i32) -> (i32, i32) {
    %c0_i32 = arith.constant 0 : i32
    %c0_i32_0 = arith.constant 0 : i32
    return %arg0, %c0_i32 : i32, i32
  }
  func.func @transform_3(%arg0: i32) -> (i32, i32) {
    %c0_i32 = arith.constant 0 : i32
    %c0_i32_0 = arith.constant 0 : i32
    %c0_i32_1 = arith.constant 0 : i32
    return %c0_i32, %c0_i32_0 : i32, i32
  }
  func.func @transform_4(%arg0: i32) -> (i32, i32) {
    %c0_i32 = arith.constant 0 : i32
    %c0_i32_0 = arith.constant 0 : i32
    return %arg0, %c0_i32 : i32, i32
  }
}

</mosaic_0001>

<sc_bundles>
// kernel: kernel.11.cloned.1.call-start
scs
__scs_entry_jumppad:
0x0: {  	(pc) =	sbr.rel $0x88, $3  }
0x1: {  	(tag) =	ssettag $0x0;
	lr =	simm.s32 $0x1  }
0x2: {  	[smem:$0x3F9B] =	sst lr;
	_ =	strace $0xD0000000  }
0x3: {  	_ = 	snop  }
0x4: {  	_ = 	snop  }
0x5: {  	_ = 	snop  }
0x6: {  	_ = 	snop  }
0x7: {  	_ = 	snop  }
__scs_overlays_trampoline_lowered:
0x8: {  	[smem:$0x3FAA] =	sst s0  }
0x9: {  	[smem:$0x3FAB] =	sst s1  }
0xa: {  	[smem:$0x3FAC] =	sst s2  }
0xb: {  	[smem:$0x3FAD] =	sst s3  }
0xc: {  	[smem:$0x3FAE] =	sst s4  }
0xd: {  	[smem:$0x3FAF] =	sst s5  }
0xe: {  	[smem:$0x3FB0] =	sst s6  }
0xf: {  	[smem:$0x3FB1] =	sst s7  }
0x10: {  	[smem:$0x3FB2] =	sst s8  }
0x11: {  	[smem:$0x3FB3] =	sst s9;
	s0 =	simm.s32 @!p0 $0x0  }
0x12: {  	s1 =	sld [smem:$0x3F99];
	s0 =	simm.s32 @p0 $0x1  }
0x13: {  	[smem:$0x3FB4] =	sst s0;
	s0 =	simm.s32 @!p1 $0x0  }
0x14: {  	s2 =	sld [smem:$0x3F98];
	s0 =	simm.s32 @p1 $0x1  }
0x15: {  	[smem:$0x3FB5] =	sst s0;
	s0 =	simm.s32 @!p2 $0x0  }
0x16: {  	s3 =	sld [smem:$0x3FDB];
	s0 =	simm.s32 @p2 $0x1  }
0x17: {  	s4 =	simm.s32 $0x1BF5;
	[smem:$0x3FB7] =	sst s0  }
0x18: {  	s0 =	sld [smem:$0x3F9A];
	_ =	swait.ge [sflag:s4], $0x0  }
0x19: {  	s7 =	sld [smem:$0x3F9B]  }
0x1a: {  	s8 =	sadd.s32 $0xFFFFE003, lr  }
0x1b: {  	s9 =	sadd.s32 $0xFFFFFEF7, lr;
	s5 =	simm.s32 $0xFFFFFFFF;
	p2 =	slt.u32 s8, $0xFFFFF086  }
0x1c: {  	p1 =	slt.u32 s9, $0xF7A;
	s5 =	simm.s32 @!p2 $0x0  }
0x1d: {  	s5 =	simm.s32 @p1 $0x1;
	p0 =	seq.s32 s7, s2  }
0x1e: {  	s7 =	smul.u32 @!p0 $0xF7A, s2;
	p2 =	seq.s32 @!p0 s5, $0x0  }
0x1f: {  	s9 =	smul.u32 $0xF7A, s1;
	s8 =	simm.s32 @!p0 $0x1BF5;
	p2 =	por !p2, p0  }
0x20: {  	[sflag:s8] =	ssyncset.s32 @!p0 $0xFFFFF086;
	s6 =	sadd.s32 @!p0 s3, s7;
	s7 =	simm.s32 @!p0 $0x108  }
0x21: {  	s3 =	sadd.s32 s3, s9;
	s6 =	sadd.s32 @!p0 $0x88, s6;
	s7 =	simm.s32 @p2 $0x1082  }
0x22: {  	[simem:s7], [sflag:s8] =	dma.local @!p0 [hbm:s6], $0xF7A  }
0x23: {  	s9 =	sor.u32 $0xD0000000, s2;
	s6 =	simm.s32 $0x108;
	_ =	swait.ge @!p0 [sflag:s8], $0x0  }
0x24: {  	s3 =	sadd.s32 $0x88, s3;
	s6 =	simm.s32 @!p1 $0x1082;
	[sflag:s4] =	ssyncset.s32 $0xFFFFF086  }
0x25: {  	[simem:s6], [sflag:s4] =	dma.local [hbm:s3], $0xF7A  }
0x26: {  	[smem:$0x3F9B] =	sst s1;
	(tag) =	ssettag s2;
	_ =	strace s9  }
0x27: {  	s1 =	sld [smem:$0x3FAB]  }
0x28: {  	s2 =	sld [smem:$0x3FAC]  }
0x29: {  	s4 =	sld [smem:$0x3FAE]  }
0x2a: {  	p0 =	seq.s32 s5, $0x0;
	s5 =	sld [smem:$0x3FAF]  }
0x2b: {  	s6 =	sld [smem:$0x3FB0]  }
0x2c: {  	s7 =	sld [smem:$0x3FB1]  }
0x2d: {  	s3 =	simm.s32 $0x108;
	s8 =	sld [smem:$0x3FB2]  }
0x2e: {  	s3 =	simm.s32 @!p0 $0x1082;
	s9 =	sld [smem:$0x3FB3]  }
0x2f: {  	lr =	sadd.s32 s0, s3;
	s0 =	sld [smem:$0x3FAA]  }
0x30: {  	s3 =	sld [smem:$0x3FAD]  }
0x31: {  	[smem:$0x3FB6] =	sst s10  }
0x32: {  	s10 =	sld [smem:$0x3FB4];
	_ =	sdelay $0x3  }
0x33: {  	p0 =	seq.s32 s10, $0x1;
	s10 =	sld [smem:$0x3FB6];
	_ =	sdelay $0x3  }
0x34: {  	[smem:$0x3FB6] =	sst s10  }
0x35: {  	s10 =	sld [smem:$0x3FB5];
	_ =	sdelay $0x3  }
0x36: {  	p1 =	seq.s32 s10, $0x1;
	s10 =	sld [smem:$0x3FB6];
	_ =	sdelay $0x3  }
0x37: {  	[smem:$0x3FB6] =	sst s10  }
0x38: {  	s10 =	sld [smem:$0x3FB7]  }
0x39: {  	_ = 	snop;
	(pc) =	sbr.ind lr, $3  }
0x3a: {  	_ = 	snop  }
0x3b: {  	_ = 	snop  }
0x3c: {  	p2 =	seq.s32 s10, $0x1;
	s10 =	sld [smem:$0x3FB6]  }
0x3d: {  	_ =	shalt  }
0x3e: {  	_ =	shalt  }
0x3f: {  	_ =	shalt  }
0x40: {  	_ =	shalt  }
0x41: {  	_ =	shalt  }
0x42: {  	_ =	shalt  }
0x43: {  	_ =	shalt  }
0x44: {  	_ =	shalt  }
0x45: {  	_ =	shalt  }
0x46: {  	_ =	shalt  }
0x47: {  	_ =	shalt  }
0x48: {  	_ =	shalt  }
0x49: {  	_ =	shalt  }
0x4a: {  	_ =	shalt  }
0x4b: {  	_ =	shalt  }
0x4c: {  	_ =	shalt  }
0x4d: {  	_ =	shalt  }
0x4e: {  	_ =	shalt  }
0x4f: {  	_ =	shalt  }
0x50: {  	_ =	shalt  }
0x51: {  	_ =	shalt  }
0x52: {  	_ =	shalt  }
0x53: {  	_ =	shalt  }
0x54: {  	_ =	shalt  }
0x55: {  	_ =	shalt  }
0x56: {  	_ =	shalt  }
0x57: {  	_ =	shalt  }
0x58: {  	_ =	shalt  }
0x59: {  	_ =	shalt  }
0x5a: {  	_ =	shalt  }
0x5b: {  	_ =	shalt  }
0x5c: {  	_ =	shalt  }
0x5d: {  	_ =	shalt  }
0x5e: {  	_ =	shalt  }
0x5f: {  	_ =	shalt  }
0x60: {  	_ =	shalt  }
0x61: {  	_ =	shalt  }
0x62: {  	_ =	shalt  }
0x63: {  	_ =	shalt  }
0x64: {  	_ =	shalt  }
0x65: {  	_ =	shalt  }
0x66: {  	_ =	shalt  }
0x67: {  	_ =	shalt  }
0x68: {  	_ =	shalt  }
0x69: {  	_ =	shalt  }
0x6a: {  	_ =	shalt  }
0x6b: {  	_ =	shalt  }
0x6c: {  	_ =	shalt  }
0x6d: {  	_ =	shalt  }
0x6e: {  	_ =	shalt  }
0x6f: {  	_ =	shalt  }
0x70: {  	_ =	shalt  }
0x71: {  	_ =	shalt  }
0x72: {  	_ =	shalt  }
0x73: {  	_ =	shalt  }
0x74: {  	_ =	shalt  }
0x75: {  	_ =	shalt  }
0x76: {  	_ =	shalt  }
0x77: {  	_ =	shalt  }
0x78: {  	_ =	shalt  }
0x79: {  	_ =	shalt  }
0x7a: {  	_ =	shalt  }
0x7b: {  	_ =	shalt  }
0x7c: {  	_ =	shalt  }
0x7d: {  	_ =	shalt  }
0x7e: {  	_ =	shalt  }
0x7f: {  	_ =	shalt  }
0x80: {  	_ =	shalt  }
0x81: {  	_ =	shalt  }
0x82: {  	_ =	shalt  }
0x83: {  	_ =	shalt  }
0x84: {  	_ =	shalt  }
0x85: {  	_ =	shalt  }
0x86: {  	_ =	shalt  }
0x87: {  	_ =	shalt  }
.Lfunc_end0:
.L_simem_size_0:
called_computation.1_lowered:
.L_overlay_start_0:
0x88: {  	s2 =	sld [smem:$0x3FD9]  }
0x89: {  	s3 =	sld [smem:$0x3FFE];
	_ =	sdelay $0x1  }
0x8a: {  	s1 =	srdreg.scid  }
0x8b: {  	s0 =	sand.u32 $0x1, s1  }
0x8c: {  	s17 =	sshll.u32 s0, $0xA;
	s2 =	sadd.s32 s3, s2  }
0x8d: {  	s2 =	sadd.s32 s2, s17  }
0x8e: {  	[smem:$0x3FC2] =	sst s2  }
0x8f: {  	_ = 	snop  }
0x90: {  	s2 =	sld [smem:$0x3FD0];
	(tm) =	ssettm $0x1  }
0x91: {  	s18 =	sld [smem:$0x3FFB];
	_ =	sdelay $0x3  }
0x92: {  	_ =	strace s18  }
0x93: {  	s3 =	sld [smem:$0x3FFC];
	_ =	sdelay $0x3  }
0x94: {  	_ =	strace s3  }
0x95: {  	s3 =	sld [smem:$0x3FFD];
	_ =	sdelay $0x3  }
0x96: {  	_ =	strace s3  }
0x97: {  	_ =	strace $0x8FFFFFFF  }
0x98: {  	s19 =	sld [smem:$0x3FDB];
	_ =	sdelay $0x1  }
0x99: {  	s4 =	simm.s32 $_scs_section_size  }
0x9a: {  	s5 =	simm.s32 $_size__tile_overlayer_lowered;
	s6 =	simm.s32 $_tile_overlayer_lowered  }
0x9b: {  	s22 =	simm.s32 $0x1BFF;
	s21 =	sshll.u32 s6, $0x1;
	s3 =	sadd.s32 s4, s19  }
0x9c: {  	s7 =	simm.s32 $0x0;
	s20 =	sshll.u32 s5, $0x1;
	s5 =	sadd.s32 s21, s3  }
0x9d: {  	[timem:s7], [sflag:s22] =	dma.local [hbm:s5], s20  }
0x9e: {  	_ =	swait.ge [sflag:s22], s20  }
0x9f: {  	s4 =	ssub.s32 $0x0, s20;
	[sflag:s22] =	ssyncset.done $0x0  }
0xa0: {  	[sflag:s22] =	ssyncadd.s32 s4;
	_ =	sdelay $0x1  }
0xa1: {  	s23 =	simm.s32 $0x1B8B  }
0xa2: {  	_ =	swait.ge [sflag:s23], $0x1  }
0xa3: {  	[sflag:s23] =	ssyncset.done $0x0  }
0xa4: {  	s25 =	simm.s32 $0x1B8E;
	s24 =	sld [smem:$0x3FFE];
	[sflag:s23] =	ssyncadd.s32 $0xFFFFFFFF  }
0xa5: {  	s26 =	simm.s32 $execute0_lowered;
	[smem:$0x3FD2] =	sst s25  }
0xa6: {  	s5 =	sshll.u32 s26, $0x1;
	_ =	strace $0x80000049;
	[dreg:$0x1] =	wrdreg $0xFFFFFFFF  }
0xa7: {  	s28 =	simm.s32 $_size_execute0_lowered;
	s3 =	sadd.s32 s3, s5;
	[dreg:$0x0] =	wrdreg $0x0  }
0xa8: {  	s5 =	sshll.u32 s28, $0x1;
	[dreg:$0x2] =	wrdreg s3  }
0xa9: {  	[dreg:$0x3] =	wrdreg s5  }
0xaa: {  	[dreg:$0x4] =	wrdreg $0xC0  }
0xab: {  	_ =	task [dreg:s7], $0x5FFFF  }
0xac: {  	[dreg:$0x1] =	wrdreg $0xFFFFFFFF  }
0xad: {  	[dreg:$0x0] =	wrdreg $0x60  }
0xae: {  	[dreg:$0x2] =	wrdreg s2  }
0xaf: {  	[dreg:$0x3] =	wrdreg s24  }
0xb0: {  	[dreg:$0x4] =	wrdreg $0x29000  }
0xb1: {  	[dreg:$0x5] =	wrdreg $0x9  }
0xb2: {  	_ =	task.clear_ibuf [dreg:s7], $0x6FFFF;
	_ =	strace $0x90000049  }
0xb3: {  	s29 =	simm.s32 $0x9;
	_ =	strace $0x8000004B  }
0xb4: {  	_ =	swait.ge [sflag:s29], $0x1  }
0xb5: {  	[sflag:s29] =	ssyncadd.s32 $0xFFFFFFFF  }
0xb6: {  	_ =	strace $0x9000004B  }
0xb7: {  	_ =	sfence  }
0xb8: {  	s30 =	sld [smem:$0x0];
	_ =	sdelay $0x2  }
0xb9: {  	s31 =	sshll.u32 s1, $0xD;
	s1 =	sshrl.u32 s1, $0x2  }
0xba: {  	s3 =	sand.u32 $0x4000, s31;
	s1 =	sadd.s32 s1, s30  }
0xbb: {  	s0 =	sor.u32 s3, s0;
	s1 =	sshll.u32 s1, $0x11  }
0xbc: {  	s0 =	sor.u32 s1, s0  }
0xbd: {  	s0 =	sadd.s32 $0x8F2B, s0  }
0xbe: {  	[sflag:s0] =	ssyncadd.remote.s32 $0x1  }
0xbf: {  	_ =	sfence.sel $0xFFFF  }
0xc0: {  	[dreg:$0x0] =	wrdreg $0xFFFFFFFF;
	(pc) =	sbr.abs _section_cstart, $3  }
0xc1: {  	[dreg:$0x1] =	wrdreg $0xFFFFFFFF  }
0xc2: {  	_ =	task.clear_ibuf [dreg:s7], $0x2FFFF;
	_ =	strace $0x9FFFFFFF  }
0xc3: {  	(tm) =	ssettm $0x7FFFFFFF  }
tec
execute0_lowered:
.L_overlay_start_1:
0x0: {  	(tag) =	ssettag $0x1  }
0x1: {  	s1 =	rddreg [dreg:$0x0]  }
0x2: {  	s2 =	srdreg.scid;
	s5 =	rddreg [dreg:$0x1]  }
0x3: {  	s0 =	stileid.u32;
	s3 =	rddreg [dreg:$0x2]  }
0x4: {  	s4 =	simm.s32 $0x0;
	s17 =	simm.s32 $0x100;
	s7 =	smul.u32 $0x4E20, s0  }
0x5: {  	s18 =	simm.s32 $0x1;
	s19 =	simm.s32 $0x80;
	s28 =	smul.u32 $0x14000, s0  }
0x6: {  	s20 =	simm.s32 $0x50;
	s6 =	sand.u32 $0x1, s2;
	s10 =	smul.u32 $0x50000, s0  }
0x7: {  	s22 =	simm.s32 $0x0;
	s2 =	rddreg [dreg:$0x3];
	s8 =	smul.u32 $0x2710, s6  }
0x8: {  	[smem:$0x7FF] =	sst s4;
	s21 =	sshll.u32 s0, $0x6;
	s9 =	smul.u32 $0x140000, s6  }
0x9: {  	_ =	strace $0x8000004A;
	s6 =	ssub.s32 $0x2, s6;
	s21 =	sor.u32 $0x1C01, s21  }
0xa: {  	s30 =	sshrl.u32 s6, $0x1;
	s31 =	sshrl.u32 s10, $0x2;
	s7 =	sadd.s32 s8, s7  }
0xb: {  	s29 =	sadd.s32 s28, s9;
	s14 =	ssub.s32 s6, s30;
	s7 =	sshrl.u32 s7, $0x3  }
0xc: {  	s14 =	smax.u32 s14, $0x1;
	s16 =	sadd.s32 s7, s5;
	s7 =	sshrl.u32 s29, $0x3  }
0xd: {  	s13 =	sadd.s32 s7, s5;
	s5 =	sadd.s32 s31, s3;
	s15 =	sadd.s32 $0xC200, s16  }
0xe: {  	s16 =	sadd.s32 $0x2400, s16;
	s6 =	sadd.s32 $0x2800, s5;
	s7 =	sadd.s32 $0x5000, s5  }
0xf: {  	s8 =	sadd.s32 $0x7800, s5;
	s9 =	sadd.s32 $0xA000, s5;
	s10 =	sadd.s32 $0xC800, s5  }
0x10: {  	v0 =	vimm.f32 $0.0e+00;
	s11 =	sadd.s32 $0xF000, s5;
	s12 =	sadd.s32 $0x11800, s5;
	s13 =	sadd.s32 $0x16000, s13  }
.LBB2_1:
0x11: {  	s23 =	simm.s32 $0x0;
	s24 =	simm.s32 $0x200  }
.LBB2_2:
0x12: {  	p0 =	sne.s32 s24, $0x9E00;
	[tilespmem:s23+$0x170] =	vst v0  }
0x13: {  	[tilespmem:s23+$0x100] =	vst v0  }
0x14: {  	[tilespmem:s23+$0x110] =	vst v0  }
.Ltmp0:
0x15: {  	[tilespmem:s23+$0x120] =	vst v0;
	(pc) =	sbr.rel @p0 .LBB2_2-.Ltmp0, $4  }
0x16: {  	[tilespmem:s23+$0x130] =	vst v0  }
0x17: {  	[tilespmem:s23+$0x140] =	vst v0  }
0x18: {  	[tilespmem:s23+$0x150] =	vst v0  }
0x19: {  	[tilespmem:s23+$0x160] =	vst v0;
	s23 =	sshra.s32 s24, $0x2;
	s24 =	sadd.s32 $0x200, s24  }
0x1a: {  	[tilespmem:s23+$0x170] =	vst v0  }
0x1b: {  	[tilespmem:s23+$0x100] =	vst v0  }
0x1c: {  	[tilespmem:s23+$0x110] =	vst v0  }
0x1d: {  	[tilespmem:s23+$0x120] =	vst v0  }
0x1e: {  	[tilespmem:s23+$0x130] =	vst v0  }
0x1f: {  	[tilespmem:s23+$0x140] =	vst v0  }
0x20: {  	[tilespmem:s23+$0x150] =	vst v0  }
0x21: {  	[tilespmem:s23+$0x160] =	vst v0  }
0x22: {  	[spmem:s5] =	stream.linear.scatter [tilespmem:s17], [sflag:$0x1], $0x2800, $0x38;
	[tilespmem:$0x16900] =	vst v63  }
0x23: {  	_ =	swait.ge [sflag:s18], $0x2800  }
0x24: {  	[sflag:s18] =	ssyncset.done $0x0  }
0x25: {  	[sflag:s18] =	ssyncadd.s32 $0xFFFFD800  }
0x26: {  	[spmem:s6] =	stream.linear.scatter [tilespmem:s17], [sflag:$0x1], $0x2800, $0x38;
	[tilespmem:$0x16900] =	vst v63  }
0x27: {  	_ =	swait.ge [sflag:s18], $0x2800  }
0x28: {  	[sflag:s18] =	ssyncset.done $0x0  }
0x29: {  	[sflag:s18] =	ssyncadd.s32 $0xFFFFD800  }
0x2a: {  	[spmem:s7] =	stream.linear.scatter [tilespmem:s17], [sflag:$0x1], $0x2800, $0x38;
	[tilespmem:$0x16900] =	vst v63  }
0x2b: {  	_ =	swait.ge [sflag:s18], $0x2800  }
0x2c: {  	[sflag:s18] =	ssyncset.done $0x0  }
0x2d: {  	[sflag:s18] =	ssyncadd.s32 $0xFFFFD800  }
0x2e: {  	[spmem:s8] =	stream.linear.scatter [tilespmem:s17], [sflag:$0x1], $0x2800, $0x38;
	[tilespmem:$0x16900] =	vst v63  }
0x2f: {  	_ =	swait.ge [sflag:s18], $0x2800  }
0x30: {  	[sflag:s18] =	ssyncset.done $0x0  }
0x31: {  	[sflag:s18] =	ssyncadd.s32 $0xFFFFD800  }
0x32: {  	[spmem:s9] =	stream.linear.scatter [tilespmem:s17], [sflag:$0x1], $0x2800, $0x38;
	[tilespmem:$0x16900] =	vst v63  }
0x33: {  	_ =	swait.ge [sflag:s18], $0x2800  }
0x34: {  	[sflag:s18] =	ssyncset.done $0x0  }
0x35: {  	[sflag:s18] =	ssyncadd.s32 $0xFFFFD800  }
0x36: {  	[spmem:s10] =	stream.linear.scatter [tilespmem:s17], [sflag:$0x1], $0x2800, $0x38;
	[tilespmem:$0x16900] =	vst v63  }
0x37: {  	_ =	swait.ge [sflag:s18], $0x2800  }
0x38: {  	[sflag:s18] =	ssyncset.done $0x0  }
0x39: {  	[sflag:s18] =	ssyncadd.s32 $0xFFFFD800  }
0x3a: {  	[spmem:s11] =	stream.linear.scatter [tilespmem:s17], [sflag:$0x1], $0x2800, $0x38;
	[tilespmem:$0x16900] =	vst v63  }
0x3b: {  	_ =	swait.ge [sflag:s18], $0x2800  }
0x3c: {  	[sflag:s18] =	ssyncset.done $0x0  }
0x3d: {  	[sflag:s18] =	ssyncadd.s32 $0xFFFFD800  }
0x3e: {  	[spmem:s12] =	stream.linear.scatter [tilespmem:s17], [sflag:$0x1], $0x2800, $0x38;
	[tilespmem:$0x16900] =	vst v63  }
0x3f: {  	_ =	swait.ge [sflag:s18], $0x2800  }
0x40: {  	[sflag:s18] =	ssyncset.done $0x0  }
0x41: {  	[sflag:s18] =	ssyncadd.s32 $0xFFFFD800  }
0x42: {  	s30 =	sadd.s32 $0x0, s16;
	[bflag:$0x0] =	sbarrier.arrive $0xFFFF  }
0x43: {  	[tilespmem:s4], [sflag:$0x1] =	stream.linear.gather [hbm4b:s30+s4], $0x50, $0x38;
	[tilespmem:$0x16900] =	vst v63  }
0x44: {  	_ =	swait.ge [sflag:s18], $0x50  }
0x45: {  	[sflag:s18] =	ssyncset.done $0x0  }
0x46: {  	s31 =	sadd.s32 $0x0, s15;
	[sflag:s18] =	ssyncadd.s32 $0xFFFFFFB0  }
0x47: {  	[tilespmem:s19], [sflag:$0x1] =	stream.linear.gather [hbm4b:s31+s4], $0x50, $0x38;
	[tilespmem:$0x16900] =	vst v63  }
0x48: {  	_ =	swait.ge [sflag:s18], $0x50  }
0x49: {  	[sflag:s18] =	ssyncset.done $0x0  }
0x4a: {  	[sflag:s18] =	ssyncadd.s32 $0xFFFFFFB0  }
0x4b: {  	[tilespmem:s17], [sflag:$0x1] =	stream.indirect.gather [hbm4b:s1+s20], $0x80, s4, s20, $0xb8;
	[tilespmem:$0x16900] =	vst v63  }
0x4c: {  	_ =	swait.ge [sflag:s18], $0x2800  }
0x4d: {  	[sflag:s18] =	ssyncset.done $0x0  }
0x4e: {  	[sflag:s18] =	ssyncadd.s32 $0xFFFFD800  }
0x4f: {  	[spmem:s3] =	stream.indirect.scatter.add.f32 [tilespmem:s17], [sflag:$0x1], $0x80, s19, s20, $0xb8;
	[tilespmem:$0x16900] =	vst v63  }
0x50: {  	_ =	swait.ge [sflag:s18], $0x2800  }
0x51: {  	s23 =	simm.s32 $0xA;
	s24 =	simm.s32 $0x14;
	[sflag:s18] =	ssyncset.done $0x0  }
.LBB2_4:
0x52: {  	s25 =	sadd.s32 s23, s16  }
0x53: {  	[sflag:s18] =	ssyncadd.s32 $0xFFFFD800;
	s26 =	smov.u32 s24;
	s28 =	sadd.s32 $0xA, s24  }
0x54: {  	[tilespmem:s4], [sflag:$0x1] =	stream.linear.gather [hbm4b:s25+s4], $0x50, $0x38;
	[tilespmem:$0x16900] =	vst v63  }
0x55: {  	p0 =	sne.s32 s24, $0x4D8;
	_ =	swait.ge [sflag:s18], $0x50  }
0x56: {  	[sflag:s18] =	ssyncset.done $0x0  }
0x57: {  	s24 =	sadd.s32 s23, s15;
	s23 =	smov.u32 s26;
	[sflag:s18] =	ssyncadd.s32 $0xFFFFFFB0  }
0x58: {  	[tilespmem:s19], [sflag:$0x1] =	stream.linear.gather [hbm4b:s24+s4], $0x50, $0x38;
	[tilespmem:$0x16900] =	vst v63  }
0x59: {  	_ =	swait.ge [sflag:s18], $0x50  }
0x5a: {  	[sflag:s18] =	ssyncset.done $0x0  }
0x5b: {  	[sflag:s18] =	ssyncadd.s32 $0xFFFFFFB0  }
0x5c: {  	[tilespmem:s17], [sflag:$0x1] =	stream.indirect.gather [hbm4b:s1+s20], $0x80, s4, s20, $0xb8;
	[tilespmem:$0x16900] =	vst v63  }
0x5d: {  	_ =	swait.ge [sflag:s18], $0x2800  }
.Ltmp1:
0x5e: {  	[sflag:s18] =	ssyncset.done $0x0;
	(pc) =	sbr.rel @p0 .LBB2_4-.Ltmp1, $4  }
0x5f: {  	[sflag:s18] =	ssyncadd.s32 $0xFFFFD800  }
0x60: {  	[spmem:s3] =	stream.indirect.scatter.add.f32 [tilespmem:s17], [sflag:$0x1], $0x80, s19, s20, $0xb8;
	[tilespmem:$0x16900] =	vst v63  }
0x61: {  	_ =	swait.ge [sflag:s18], $0x2800  }
0x62: {  	s24 =	smov.u32 s28;
	[sflag:s18] =	ssyncset.done $0x0  }
0x63: {  	s24 =	sadd.s32 s23, s16;
	[sflag:s18] =	ssyncadd.s32 $0xFFFFD800  }
0x64: {  	[tilespmem:s4], [sflag:$0x1] =	stream.linear.gather [hbm4b:s24+s4], $0x50, $0x38;
	[tilespmem:$0x16900] =	vst v63  }
0x65: {  	_ =	swait.ge [sflag:s18], $0x50  }
0x66: {  	[sflag:s18] =	ssyncset.done $0x0  }
0x67: {  	s30 =	sadd.s32 s23, s15;
	[sflag:s18] =	ssyncadd.s32 $0xFFFFFFB0  }
0x68: {  	[tilespmem:s19], [sflag:$0x1] =	stream.linear.gather [hbm4b:s30+s4], $0x50, $0x38;
	[tilespmem:$0x16900] =	vst v63  }
0x69: {  	_ =	swait.ge [sflag:s18], $0x50  }
0x6a: {  	[sflag:s18] =	ssyncset.done $0x0  }
0x6b: {  	[sflag:s18] =	ssyncadd.s32 $0xFFFFFFB0  }
0x6c: {  	[tilespmem:s17], [sflag:$0x1] =	stream.indirect.gather [hbm4b:s1+s20], $0x80, s4, s20, $0xb8;
	[tilespmem:$0x16900] =	vst v63  }
0x6d: {  	_ =	swait.ge [sflag:s18], $0x2800  }
0x6e: {  	[sflag:s18] =	ssyncset.done $0x0  }
0x6f: {  	[sflag:s18] =	ssyncadd.s32 $0xFFFFD800  }
0x70: {  	[spmem:s3] =	stream.indirect.scatter.add.f32 [tilespmem:s17], [sflag:$0x1], $0x80, s19, s20, $0xb8;
	[tilespmem:$0x16900] =	vst v63  }
0x71: {  	_ =	swait.ge [sflag:s18], $0x2800  }
0x72: {  	s22 =	sadd.s32 $0x1, s22;
	[sflag:s18] =	ssyncset.done $0x0  }
0x73: {  	p0 =	sne.s32 s22, s14;
	[sflag:s18] =	ssyncadd.s32 $0xFFFFD800  }
.Ltmp2:
0x74: {  	s31 =	sshrl.u32 s5, $0x3;
	[bflag:$0x0] =	sbarrier.arrive $0xFFFF;
	(pc) =	sbr.rel @p0 .LBB2_1-.Ltmp2, $4  }
0x75: {  	[hbm:s13], [sflag:s21] =	dma.local [spmem:s31], $0x2800  }
0x76: {  	_ =	swait.ge [sflag:s18], $0x2800  }
0x77: {  	[sflag:s18] =	ssyncset.done $0x0  }
0x78: {  	[sflag:s18] =	ssyncadd.s32 $0xFFFFD800  }
0x79: {  	_ =	sfence.sel $0x180000  }
0x7a: {  	[bflag:$0x0] =	sbarrier.arrive $0xFFFF  }
0x7b: {  	p0 =	sne.s32 s0, $0x0;
	_ =	strace $0x9000004A  }
0x7c: {  	s0 =	sadd.s32 @!p0 $0x100000, s2;
	[bflag:$0x2] =	sbarrier.arrive $0xFFFF  }
0x7d: {  	[sflag:s0] =	ssyncadd.tile.s32 @!p0 $0x1;
	_ =	shalt  }
.Lfunc_end2:
_tile_overlayer_lowered:
.L_overlay_start_2:
0x7e: {  	(tag) =	ssettag $0x2  }
0x7f: {  	s0 =	rddreg [dreg:$0x0];
	s2 =	stileid.u32  }
0x80: {  	s1 =	rddreg [dreg:$0x1];
	p0 =	sne.s32 s2, $0x0  }
0x81: {  	s3 =	rddreg [dreg:$0x2];
	[bflag:$0x3] =	sbarrier.arrive $0xFFFF;
	s2 =	simm.s32 @!p0 $0x1C01  }
0x82: {  	[timem:s3], [sflag:s2] =	dma.local @!p0 [hbm:s0], s1  }
0x83: {  	s0 =	simm.s32 @!p0 $0x1  }
0x84: {  	_ =	swait.ge @!p0 [sflag:s0], s1  }
0x85: {  	s1 =	ssub.s32 @!p0 $0x0, s1;
	[sflag:s0] =	ssyncset.done @!p0 $0x0  }
0x86: {  	[sflag:s0] =	ssyncadd.s32 @!p0 s1  }
0x87: {  	[bflag:$0x3] =	sbarrier.arrive $0xFFFF  }
0x88: {  	_ =	shalt  }

// kernel: kernel.14.cloned.1.call-start
scs
__scs_entry_jumppad:
0x0: {  	(pc) =	sbr.rel $0x88, $3  }
0x1: {  	(tag) =	ssettag $0x0;
	lr =	simm.s32 $0x1  }
0x2: {  	[smem:$0x3F9B] =	sst lr;
	_ =	strace $0xD0000000  }
0x3: {  	_ = 	snop  }
0x4: {  	_ = 	snop  }
0x5: {  	_ = 	snop  }
0x6: {  	_ = 	snop  }
0x7: {  	_ = 	snop  }
__scs_overlays_trampoline_lowered:
0x8: {  	[smem:$0x3FAA] =	sst s0  }
0x9: {  	[smem:$0x3FAB] =	sst s1  }
0xa: {  	[smem:$0x3FAC] =	sst s2  }
0xb: {  	[smem:$0x3FAD] =	sst s3  }
0xc: {  	[smem:$0x3FAE] =	sst s4  }
0xd: {  	[smem:$0x3FAF] =	sst s5  }
0xe: {  	[smem:$0x3FB0] =	sst s6  }
0xf: {  	[smem:$0x3FB1] =	sst s7  }
0x10: {  	[smem:$0x3FB2] =	sst s8  }
0x11: {  	[smem:$0x3FB3] =	sst s9;
	s0 =	simm.s32 @!p0 $0x0  }
0x12: {  	s1 =	sld [smem:$0x3F99];
	s0 =	simm.s32 @p0 $0x1  }
0x13: {  	[smem:$0x3FB4] =	sst s0;
	s0 =	simm.s32 @!p1 $0x0  }
0x14: {  	s2 =	sld [smem:$0x3F98];
	s0 =	simm.s32 @p1 $0x1  }
0x15: {  	[smem:$0x3FB5] =	sst s0;
	s0 =	simm.s32 @!p2 $0x0  }
0x16: {  	s3 =	sld [smem:$0x3FDB];
	s0 =	simm.s32 @p2 $0x1  }
0x17: {  	s4 =	simm.s32 $0x1BF5;
	[smem:$0x3FB7] =	sst s0  }
0x18: {  	s0 =	sld [smem:$0x3F9A];
	_ =	swait.ge [sflag:s4], $0x0  }
0x19: {  	s7 =	sld [smem:$0x3F9B]  }
0x1a: {  	s8 =	sadd.s32 $0xFFFFE003, lr  }
0x1b: {  	s9 =	sadd.s32 $0xFFFFFEF7, lr;
	s5 =	simm.s32 $0xFFFFFFFF;
	p2 =	slt.u32 s8, $0xFFFFF086  }
0x1c: {  	p1 =	slt.u32 s9, $0xF7A;
	s5 =	simm.s32 @!p2 $0x0  }
0x1d: {  	s5 =	simm.s32 @p1 $0x1;
	p0 =	seq.s32 s7, s2  }
0x1e: {  	s7 =	smul.u32 @!p0 $0xF7A, s2;
	p2 =	seq.s32 @!p0 s5, $0x0  }
0x1f: {  	s9 =	smul.u32 $0xF7A, s1;
	s8 =	simm.s32 @!p0 $0x1BF5;
	p2 =	por !p2, p0  }
0x20: {  	[sflag:s8] =	ssyncset.s32 @!p0 $0xFFFFF086;
	s6 =	sadd.s32 @!p0 s3, s7;
	s7 =	simm.s32 @!p0 $0x108  }
0x21: {  	s3 =	sadd.s32 s3, s9;
	s6 =	sadd.s32 @!p0 $0x88, s6;
	s7 =	simm.s32 @p2 $0x1082  }
0x22: {  	[simem:s7], [sflag:s8] =	dma.local @!p0 [hbm:s6], $0xF7A  }
0x23: {  	s9 =	sor.u32 $0xD0000000, s2;
	s6 =	simm.s32 $0x108;
	_ =	swait.ge @!p0 [sflag:s8], $0x0  }
0x24: {  	s3 =	sadd.s32 $0x88, s3;
	s6 =	simm.s32 @!p1 $0x1082;
	[sflag:s4] =	ssyncset.s32 $0xFFFFF086  }
0x25: {  	[simem:s6], [sflag:s4] =	dma.local [hbm:s3], $0xF7A  }
0x26: {  	[smem:$0x3F9B] =	sst s1;
	(tag) =	ssettag s2;
	_ =	strace s9  }
0x27: {  	s1 =	sld [smem:$0x3FAB]  }
0x28: {  	s2 =	sld [smem:$0x3FAC]  }
0x29: {  	s4 =	sld [smem:$0x3FAE]  }
0x2a: {  	p0 =	seq.s32 s5, $0x0;
	s5 =	sld [smem:$0x3FAF]  }
0x2b: {  	s6 =	sld [smem:$0x3FB0]  }
0x2c: {  	s7 =	sld [smem:$0x3FB1]  }
0x2d: {  	s3 =	simm.s32 $0x108;
	s8 =	sld [smem:$0x3FB2]  }
0x2e: {  	s3 =	simm.s32 @!p0 $0x1082;
	s9 =	sld [smem:$0x3FB3]  }
0x2f: {  	lr =	sadd.s32 s0, s3;
	s0 =	sld [smem:$0x3FAA]  }
0x30: {  	s3 =	sld [smem:$0x3FAD]  }
0x31: {  	[smem:$0x3FB6] =	sst s10  }
0x32: {  	s10 =	sld [smem:$0x3FB4];
	_ =	sdelay $0x3  }
0x33: {  	p0 =	seq.s32 s10, $0x1;
	s10 =	sld [smem:$0x3FB6];
	_ =	sdelay $0x3  }
0x34: {  	[smem:$0x3FB6] =	sst s10  }
0x35: {  	s10 =	sld [smem:$0x3FB5];
	_ =	sdelay $0x3  }
0x36: {  	p1 =	seq.s32 s10, $0x1;
	s10 =	sld [smem:$0x3FB6];
	_ =	sdelay $0x3  }
0x37: {  	[smem:$0x3FB6] =	sst s10  }
0x38: {  	s10 =	sld [smem:$0x3FB7]  }
0x39: {  	_ = 	snop;
	(pc) =	sbr.ind lr, $3  }
0x3a: {  	_ = 	snop  }
0x3b: {  	_ = 	snop  }
0x3c: {  	p2 =	seq.s32 s10, $0x1;
	s10 =	sld [smem:$0x3FB6]  }
0x3d: {  	_ =	shalt  }
0x3e: {  	_ =	shalt  }
0x3f: {  	_ =	shalt  }
0x40: {  	_ =	shalt  }
0x41: {  	_ =	shalt  }
0x42: {  	_ =	shalt  }
0x43: {  	_ =	shalt  }
0x44: {  	_ =	shalt  }
0x45: {  	_ =	shalt  }
0x46: {  	_ =	shalt  }
0x47: {  	_ =	shalt  }
0x48: {  	_ =	shalt  }
0x49: {  	_ =	shalt  }
0x4a: {  	_ =	shalt  }
0x4b: {  	_ =	shalt  }
0x4c: {  	_ =	shalt  }
0x4d: {  	_ =	shalt  }
0x4e: {  	_ =	shalt  }
0x4f: {  	_ =	shalt  }
0x50: {  	_ =	shalt  }
0x51: {  	_ =	shalt  }
0x52: {  	_ =	shalt  }
0x53: {  	_ =	shalt  }
0x54: {  	_ =	shalt  }
0x55: {  	_ =	shalt  }
0x56: {  	_ =	shalt  }
0x57: {  	_ =	shalt  }
0x58: {  	_ =	shalt  }
0x59: {  	_ =	shalt  }
0x5a: {  	_ =	shalt  }
0x5b: {  	_ =	shalt  }
0x5c: {  	_ =	shalt  }
0x5d: {  	_ =	shalt  }
0x5e: {  	_ =	shalt  }
0x5f: {  	_ =	shalt  }
0x60: {  	_ =	shalt  }
0x61: {  	_ =	shalt  }
0x62: {  	_ =	shalt  }
0x63: {  	_ =	shalt  }
0x64: {  	_ =	shalt  }
0x65: {  	_ =	shalt  }
0x66: {  	_ =	shalt  }
0x67: {  	_ =	shalt  }
0x68: {  	_ =	shalt  }
0x69: {  	_ =	shalt  }
0x6a: {  	_ =	shalt  }
0x6b: {  	_ =	shalt  }
0x6c: {  	_ =	shalt  }
0x6d: {  	_ =	shalt  }
0x6e: {  	_ =	shalt  }
0x6f: {  	_ =	shalt  }
0x70: {  	_ =	shalt  }
0x71: {  	_ =	shalt  }
0x72: {  	_ =	shalt  }
0x73: {  	_ =	shalt  }
0x74: {  	_ =	shalt  }
0x75: {  	_ =	shalt  }
0x76: {  	_ =	shalt  }
0x77: {  	_ =	shalt  }
0x78: {  	_ =	shalt  }
0x79: {  	_ =	shalt  }
0x7a: {  	_ =	shalt  }
0x7b: {  	_ =	shalt  }
0x7c: {  	_ =	shalt  }
0x7d: {  	_ =	shalt  }
0x7e: {  	_ =	shalt  }
0x7f: {  	_ =	shalt  }
0x80: {  	_ =	shalt  }
0x81: {  	_ =	shalt  }
0x82: {  	_ =	shalt  }
0x83: {  	_ =	shalt  }
0x84: {  	_ =	shalt  }
0x85: {  	_ =	shalt  }
0x86: {  	_ =	shalt  }
0x87: {  	_ =	shalt  }
.Lfunc_end0:
.L_simem_size_0:
called_computation.2_lowered:
.L_overlay_start_0:
0x88: {  	s2 =	sld [smem:$0x3FD9]  }
0x89: {  	s3 =	sld [smem:$0x3FFE];
	_ =	sdelay $0x1  }
0x8a: {  	s1 =	srdreg.scid  }
0x8b: {  	s0 =	sand.u32 $0x1, s1  }
0x8c: {  	s17 =	sshll.u32 s0, $0xA;
	s2 =	sadd.s32 s3, s2  }
0x8d: {  	s2 =	sadd.s32 s2, s17  }
0x8e: {  	[smem:$0x3FC2] =	sst s2  }
0x8f: {  	_ = 	snop  }
0x90: {  	s2 =	sld [smem:$0x3FD0];
	(tm) =	ssettm $0x1  }
0x91: {  	s18 =	sld [smem:$0x3FFB];
	_ =	sdelay $0x3  }
0x92: {  	_ =	strace s18  }
0x93: {  	s3 =	sld [smem:$0x3FFC];
	_ =	sdelay $0x3  }
0x94: {  	_ =	strace s3  }
0x95: {  	s3 =	sld [smem:$0x3FFD];
	_ =	sdelay $0x3  }
0x96: {  	_ =	strace s3  }
0x97: {  	_ =	strace $0x8FFFFFFF  }
0x98: {  	s19 =	sld [smem:$0x3FDB];
	_ =	sdelay $0x1  }
0x99: {  	s4 =	simm.s32 $_scs_section_size  }
0x9a: {  	s5 =	simm.s32 $_size__tile_overlayer_lowered;
	s6 =	simm.s32 $_tile_overlayer_lowered  }
0x9b: {  	s22 =	simm.s32 $0x1BFF;
	s21 =	sshll.u32 s6, $0x1;
	s3 =	sadd.s32 s4, s19  }
0x9c: {  	s7 =	simm.s32 $0x0;
	s20 =	sshll.u32 s5, $0x1;
	s5 =	sadd.s32 s21, s3  }
0x9d: {  	[timem:s7], [sflag:s22] =	dma.local [hbm:s5], s20  }
0x9e: {  	_ =	swait.ge [sflag:s22], s20  }
0x9f: {  	s4 =	ssub.s32 $0x0, s20;
	[sflag:s22] =	ssyncset.done $0x0  }
0xa0: {  	[sflag:s22] =	ssyncadd.s32 s4;
	_ =	sdelay $0x1  }
0xa1: {  	s23 =	simm.s32 $0x1B8B  }
0xa2: {  	_ =	swait.ge [sflag:s23], $0x1  }
0xa3: {  	[sflag:s23] =	ssyncset.done $0x0  }
0xa4: {  	s25 =	simm.s32 $0x1B8E;
	s24 =	sld [smem:$0x3FFE];
	[sflag:s23] =	ssyncadd.s32 $0xFFFFFFFF  }
0xa5: {  	s26 =	simm.s32 $execute0_lowered;
	[smem:$0x3FD2] =	sst s25  }
0xa6: {  	s5 =	sshll.u32 s26, $0x1;
	_ =	strace $0x8000004C;
	[dreg:$0x1] =	wrdreg $0xFFFFFFFF  }
0xa7: {  	s28 =	simm.s32 $_size_execute0_lowered;
	s3 =	sadd.s32 s3, s5;
	[dreg:$0x0] =	wrdreg $0x0  }
0xa8: {  	s5 =	sshll.u32 s28, $0x1;
	[dreg:$0x2] =	wrdreg s3  }
0xa9: {  	[dreg:$0x3] =	wrdreg s5  }
0xaa: {  	[dreg:$0x4] =	wrdreg $0xC0  }
0xab: {  	_ =	task [dreg:s7], $0x5FFFF  }
0xac: {  	[dreg:$0x1] =	wrdreg $0xFFFFFFFF  }
0xad: {  	[dreg:$0x0] =	wrdreg $0x60  }
0xae: {  	[dreg:$0x2] =	wrdreg s2  }
0xaf: {  	[dreg:$0x3] =	wrdreg s24  }
0xb0: {  	[dreg:$0x4] =	wrdreg $0x29000  }
0xb1: {  	[dreg:$0x5] =	wrdreg $0x9  }
0xb2: {  	_ =	task.clear_ibuf [dreg:s7], $0x6FFFF;
	_ =	strace $0x9000004C  }
0xb3: {  	s29 =	simm.s32 $0x9;
	_ =	strace $0x8000004E  }
0xb4: {  	_ =	swait.ge [sflag:s29], $0x1  }
0xb5: {  	[sflag:s29] =	ssyncadd.s32 $0xFFFFFFFF  }
0xb6: {  	_ =	strace $0x9000004E  }
0xb7: {  	_ =	sfence  }
0xb8: {  	s30 =	sld [smem:$0x0];
	_ =	sdelay $0x2  }
0xb9: {  	s31 =	sshll.u32 s1, $0xD;
	s1 =	sshrl.u32 s1, $0x2  }
0xba: {  	s3 =	sand.u32 $0x4000, s31;
	s1 =	sadd.s32 s1, s30  }
0xbb: {  	s0 =	sor.u32 s3, s0;
	s1 =	sshll.u32 s1, $0x11  }
0xbc: {  	s0 =	sor.u32 s1, s0  }
0xbd: {  	s0 =	sadd.s32 $0x8F2B, s0  }
0xbe: {  	[sflag:s0] =	ssyncadd.remote.s32 $0x1  }
0xbf: {  	_ =	sfence.sel $0xFFFF  }
0xc0: {  	[dreg:$0x0] =	wrdreg $0xFFFFFFFF;
	(pc) =	sbr.abs _section_cstart, $3  }
0xc1: {  	[dreg:$0x1] =	wrdreg $0xFFFFFFFF  }
0xc2: {  	_ =	task.clear_ibuf [dreg:s7], $0x2FFFF;
	_ =	strace $0x9FFFFFFF  }
0xc3: {  	(tm) =	ssettm $0x7FFFFFFF  }
tec
execute0_lowered:
.L_overlay_start_1:
0x0: {  	(tag) =	ssettag $0x1  }
0x1: {  	s1 =	rddreg [dreg:$0x0]  }
0x2: {  	s2 =	srdreg.scid;
	s5 =	rddreg [dreg:$0x1]  }
0x3: {  	s0 =	stileid.u32;
	s3 =	rddreg [dreg:$0x2]  }
0x4: {  	s4 =	simm.s32 $0x0;
	s17 =	simm.s32 $0x100;
	s7 =	smul.u32 $0x4E20, s0  }
0x5: {  	s18 =	simm.s32 $0x1;
	s19 =	simm.s32 $0x80;
	s28 =	smul.u32 $0x14000, s0  }
0x6: {  	s20 =	simm.s32 $0x50;
	s6 =	sand.u32 $0x1, s2;
	s10 =	smul.u32 $0x50000, s0  }
0x7: {  	s22 =	simm.s32 $0x0;
	s2 =	rddreg [dreg:$0x3];
	s8 =	smul.u32 $0x2710, s6  }
0x8: {  	[smem:$0x7FF] =	sst s4;
	s21 =	sshll.u32 s0, $0x6;
	s9 =	smul.u32 $0x140000, s6  }
0x9: {  	_ =	strace $0x8000004D;
	s6 =	ssub.s32 $0x2, s6;
	s21 =	sor.u32 $0x1C01, s21  }
0xa: {  	s30 =	sshrl.u32 s6, $0x1;
	s31 =	sshrl.u32 s10, $0x2;
	s7 =	sadd.s32 s8, s7  }
0xb: {  	s29 =	sadd.s32 s28, s9;
	s14 =	ssub.s32 s6, s30;
	s7 =	sshrl.u32 s7, $0x3  }
0xc: {  	s14 =	smax.u32 s14, $0x1;
	s16 =	sadd.s32 s7, s5;
	s7 =	sshrl.u32 s29, $0x3  }
0xd: {  	s13 =	sadd.s32 s7, s5;
	s5 =	sadd.s32 s31, s3;
	s15 =	sadd.s32 $0xC200, s16  }
0xe: {  	s16 =	sadd.s32 $0x2400, s16;
	s6 =	sadd.s32 $0x2800, s5;
	s7 =	sadd.s32 $0x5000, s5  }
0xf: {  	s8 =	sadd.s32 $0x7800, s5;
	s9 =	sadd.s32 $0xA000, s5;
	s10 =	sadd.s32 $0xC800, s5  }
0x10: {  	v0 =	vimm.f32 $0.0e+00;
	s11 =	sadd.s32 $0xF000, s5;
	s12 =	sadd.s32 $0x11800, s5;
	s13 =	sadd.s32 $0x16000, s13  }
.LBB2_1:
0x11: {  	s23 =	simm.s32 $0x0;
	s24 =	simm.s32 $0x200  }
.LBB2_2:
0x12: {  	p0 =	sne.s32 s24, $0x9E00;
	[tilespmem:s23+$0x170] =	vst v0  }
0x13: {  	[tilespmem:s23+$0x100] =	vst v0  }
0x14: {  	[tilespmem:s23+$0x110] =	vst v0  }
.Ltmp0:
0x15: {  	[tilespmem:s23+$0x120] =	vst v0;
	(pc) =	sbr.rel @p0 .LBB2_2-.Ltmp0, $4  }
0x16: {  	[tilespmem:s23+$0x130] =	vst v0  }
0x17: {  	[tilespmem:s23+$0x140] =	vst v0  }
0x18: {  	[tilespmem:s23+$0x150] =	vst v0  }
0x19: {  	[tilespmem:s23+$0x160] =	vst v0;
	s23 =	sshra.s32 s24, $0x2;
	s24 =	sadd.s32 $0x200, s24  }
0x1a: {  	[tilespmem:s23+$0x170] =	vst v0  }
0x1b: {  	[tilespmem:s23+$0x100] =	vst v0  }
0x1c: {  	[tilespmem:s23+$0x110] =	vst v0  }
0x1d: {  	[tilespmem:s23+$0x120] =	vst v0  }
0x1e: {  	[tilespmem:s23+$0x130] =	vst v0  }
0x1f: {  	[tilespmem:s23+$0x140] =	vst v0  }
0x20: {  	[tilespmem:s23+$0x150] =	vst v0  }
0x21: {  	[tilespmem:s23+$0x160] =	vst v0  }
0x22: {  	[spmem:s5] =	stream.linear.scatter [tilespmem:s17], [sflag:$0x1], $0x2800, $0x38;
	[tilespmem:$0x16900] =	vst v63  }
0x23: {  	_ =	swait.ge [sflag:s18], $0x2800  }
0x24: {  	[sflag:s18] =	ssyncset.done $0x0  }
0x25: {  	[sflag:s18] =	ssyncadd.s32 $0xFFFFD800  }
0x26: {  	[spmem:s6] =	stream.linear.scatter [tilespmem:s17], [sflag:$0x1], $0x2800, $0x38;
	[tilespmem:$0x16900] =	vst v63  }
0x27: {  	_ =	swait.ge [sflag:s18], $0x2800  }
0x28: {  	[sflag:s18] =	ssyncset.done $0x0  }
0x29: {  	[sflag:s18] =	ssyncadd.s32 $0xFFFFD800  }
0x2a: {  	[spmem:s7] =	stream.linear.scatter [tilespmem:s17], [sflag:$0x1], $0x2800, $0x38;
	[tilespmem:$0x16900] =	vst v63  }
0x2b: {  	_ =	swait.ge [sflag:s18], $0x2800  }
0x2c: {  	[sflag:s18] =	ssyncset.done $0x0  }
0x2d: {  	[sflag:s18] =	ssyncadd.s32 $0xFFFFD800  }
0x2e: {  	[spmem:s8] =	stream.linear.scatter [tilespmem:s17], [sflag:$0x1], $0x2800, $0x38;
	[tilespmem:$0x16900] =	vst v63  }
0x2f: {  	_ =	swait.ge [sflag:s18], $0x2800  }
0x30: {  	[sflag:s18] =	ssyncset.done $0x0  }
0x31: {  	[sflag:s18] =	ssyncadd.s32 $0xFFFFD800  }
0x32: {  	[spmem:s9] =	stream.linear.scatter [tilespmem:s17], [sflag:$0x1], $0x2800, $0x38;
	[tilespmem:$0x16900] =	vst v63  }
0x33: {  	_ =	swait.ge [sflag:s18], $0x2800  }
0x34: {  	[sflag:s18] =	ssyncset.done $0x0  }
0x35: {  	[sflag:s18] =	ssyncadd.s32 $0xFFFFD800  }
0x36: {  	[spmem:s10] =	stream.linear.scatter [tilespmem:s17], [sflag:$0x1], $0x2800, $0x38;
	[tilespmem:$0x16900] =	vst v63  }
0x37: {  	_ =	swait.ge [sflag:s18], $0x2800  }
0x38: {  	[sflag:s18] =	ssyncset.done $0x0  }
0x39: {  	[sflag:s18] =	ssyncadd.s32 $0xFFFFD800  }
0x3a: {  	[spmem:s11] =	stream.linear.scatter [tilespmem:s17], [sflag:$0x1], $0x2800, $0x38;
	[tilespmem:$0x16900] =	vst v63  }
0x3b: {  	_ =	swait.ge [sflag:s18], $0x2800  }
0x3c: {  	[sflag:s18] =	ssyncset.done $0x0  }
0x3d: {  	[sflag:s18] =	ssyncadd.s32 $0xFFFFD800  }
0x3e: {  	[spmem:s12] =	stream.linear.scatter [tilespmem:s17], [sflag:$0x1], $0x2800, $0x38;
	[tilespmem:$0x16900] =	vst v63  }
0x3f: {  	_ =	swait.ge [sflag:s18], $0x2800  }
0x40: {  	[sflag:s18] =	ssyncset.done $0x0  }
0x41: {  	[sflag:s18] =	ssyncadd.s32 $0xFFFFD800  }
0x42: {  	s30 =	sadd.s32 $0x0, s16;
	[bflag:$0x0] =	sbarrier.arrive $0xFFFF  }
0x43: {  	[tilespmem:s4], [sflag:$0x1] =	stream.linear.gather [hbm4b:s30+s4], $0x50, $0x38;
	[tilespmem:$0x16900] =	vst v63  }
0x44: {  	_ =	swait.ge [sflag:s18], $0x50  }
0x45: {  	[sflag:s18] =	ssyncset.done $0x0  }
0x46: {  	s31 =	sadd.s32 $0x0, s15;
	[sflag:s18] =	ssyncadd.s32 $0xFFFFFFB0  }
0x47: {  	[tilespmem:s19], [sflag:$0x1] =	stream.linear.gather [hbm4b:s31+s4], $0x50, $0x38;
	[tilespmem:$0x16900] =	vst v63  }
0x48: {  	_ =	swait.ge [sflag:s18], $0x50  }
0x49: {  	[sflag:s18] =	ssyncset.done $0x0  }
0x4a: {  	[sflag:s18] =	ssyncadd.s32 $0xFFFFFFB0  }
0x4b: {  	[tilespmem:s17], [sflag:$0x1] =	stream.indirect.gather [hbm4b:s1+s20], $0x80, s4, s20, $0xb8;
	[tilespmem:$0x16900] =	vst v63  }
0x4c: {  	_ =	swait.ge [sflag:s18], $0x2800  }
0x4d: {  	[sflag:s18] =	ssyncset.done $0x0  }
0x4e: {  	[sflag:s18] =	ssyncadd.s32 $0xFFFFD800  }
0x4f: {  	[spmem:s3] =	stream.indirect.scatter.add.f32 [tilespmem:s17], [sflag:$0x1], $0x80, s19, s20, $0xb8;
	[tilespmem:$0x16900] =	vst v63  }
0x50: {  	_ =	swait.ge [sflag:s18], $0x2800  }
0x51: {  	s23 =	simm.s32 $0xA;
	s24 =	simm.s32 $0x14;
	[sflag:s18] =	ssyncset.done $0x0  }
.LBB2_4:
0x52: {  	s25 =	sadd.s32 s23, s16  }
0x53: {  	[sflag:s18] =	ssyncadd.s32 $0xFFFFD800;
	s26 =	smov.u32 s24;
	s28 =	sadd.s32 $0xA, s24  }
0x54: {  	[tilespmem:s4], [sflag:$0x1] =	stream.linear.gather [hbm4b:s25+s4], $0x50, $0x38;
	[tilespmem:$0x16900] =	vst v63  }
0x55: {  	p0 =	sne.s32 s24, $0x4D8;
	_ =	swait.ge [sflag:s18], $0x50  }
0x56: {  	[sflag:s18] =	ssyncset.done $0x0  }
0x57: {  	s24 =	sadd.s32 s23, s15;
	s23 =	smov.u32 s26;
	[sflag:s18] =	ssyncadd.s32 $0xFFFFFFB0  }
0x58: {  	[tilespmem:s19], [sflag:$0x1] =	stream.linear.gather [hbm4b:s24+s4], $0x50, $0x38;
	[tilespmem:$0x16900] =	vst v63  }
0x59: {  	_ =	swait.ge [sflag:s18], $0x50  }
0x5a: {  	[sflag:s18] =	ssyncset.done $0x0  }
0x5b: {  	[sflag:s18] =	ssyncadd.s32 $0xFFFFFFB0  }
0x5c: {  	[tilespmem:s17], [sflag:$0x1] =	stream.indirect.gather [hbm4b:s1+s20], $0x80, s4, s20, $0xb8;
	[tilespmem:$0x16900] =	vst v63  }
0x5d: {  	_ =	swait.ge [sflag:s18], $0x2800  }
.Ltmp1:
0x5e: {  	[sflag:s18] =	ssyncset.done $0x0;
	(pc) =	sbr.rel @p0 .LBB2_4-.Ltmp1, $4  }
0x5f: {  	[sflag:s18] =	ssyncadd.s32 $0xFFFFD800  }
0x60: {  	[spmem:s3] =	stream.indirect.scatter.add.f32 [tilespmem:s17], [sflag:$0x1], $0x80, s19, s20, $0xb8;
	[tilespmem:$0x16900] =	vst v63  }
0x61: {  	_ =	swait.ge [sflag:s18], $0x2800  }
0x62: {  	s24 =	smov.u32 s28;
	[sflag:s18] =	ssyncset.done $0x0  }
0x63: {  	s24 =	sadd.s32 s23, s16;
	[sflag:s18] =	ssyncadd.s32 $0xFFFFD800  }
0x64: {  	[tilespmem:s4], [sflag:$0x1] =	stream.linear.gather [hbm4b:s24+s4], $0x50, $0x38;
	[tilespmem:$0x16900] =	vst v63  }
0x65: {  	_ =	swait.ge [sflag:s18], $0x50  }
0x66: {  	[sflag:s18] =	ssyncset.done $0x0  }
0x67: {  	s30 =	sadd.s32 s23, s15;
	[sflag:s18] =	ssyncadd.s32 $0xFFFFFFB0  }
0x68: {  	[tilespmem:s19], [sflag:$0x1] =	stream.linear.gather [hbm4b:s30+s4], $0x50, $0x38;
	[tilespmem:$0x16900] =	vst v63  }
0x69: {  	_ =	swait.ge [sflag:s18], $0x50  }
0x6a: {  	[sflag:s18] =	ssyncset.done $0x0  }
0x6b: {  	[sflag:s18] =	ssyncadd.s32 $0xFFFFFFB0  }
0x6c: {  	[tilespmem:s17], [sflag:$0x1] =	stream.indirect.gather [hbm4b:s1+s20], $0x80, s4, s20, $0xb8;
	[tilespmem:$0x16900] =	vst v63  }
0x6d: {  	_ =	swait.ge [sflag:s18], $0x2800  }
0x6e: {  	[sflag:s18] =	ssyncset.done $0x0  }
0x6f: {  	[sflag:s18] =	ssyncadd.s32 $0xFFFFD800  }
0x70: {  	[spmem:s3] =	stream.indirect.scatter.add.f32 [tilespmem:s17], [sflag:$0x1], $0x80, s19, s20, $0xb8;
	[tilespmem:$0x16900] =	vst v63  }
0x71: {  	_ =	swait.ge [sflag:s18], $0x2800  }
0x72: {  	s22 =	sadd.s32 $0x1, s22;
	[sflag:s18] =	ssyncset.done $0x0  }
0x73: {  	p0 =	sne.s32 s22, s14;
	[sflag:s18] =	ssyncadd.s32 $0xFFFFD800  }
.Ltmp2:
0x74: {  	s31 =	sshrl.u32 s5, $0x3;
	[bflag:$0x0] =	sbarrier.arrive $0xFFFF;
	(pc) =	sbr.rel @p0 .LBB2_1-.Ltmp2, $4  }
0x75: {  	[hbm:s13], [sflag:s21] =	dma.local [spmem:s31], $0x2800  }
0x76: {  	_ =	swait.ge [sflag:s18], $0x2800  }
0x77: {  	[sflag:s18] =	ssyncset.done $0x0  }
0x78: {  	[sflag:s18] =	ssyncadd.s32 $0xFFFFD800  }
0x79: {  	_ =	sfence.sel $0x180000  }
0x7a: {  	[bflag:$0x0] =	sbarrier.arrive $0xFFFF  }
0x7b: {  	p0 =	sne.s32 s0, $0x0;
	_ =	strace $0x9000004D  }
0x7c: {  	s0 =	sadd.s32 @!p0 $0x100000, s2;
	[bflag:$0x2] =	sbarrier.arrive $0xFFFF  }
0x7d: {  	[sflag:s0] =	ssyncadd.tile.s32 @!p0 $0x1;
	_ =	shalt  }
.Lfunc_end2:
_tile_overlayer_lowered:
.L_overlay_start_2:
0x7e: {  	(tag) =	ssettag $0x2  }
0x7f: {  	s0 =	rddreg [dreg:$0x0];
	s2 =	stileid.u32  }
0x80: {  	s1 =	rddreg [dreg:$0x1];
	p0 =	sne.s32 s2, $0x0  }
0x81: {  	s3 =	rddreg [dreg:$0x2];
	[bflag:$0x3] =	sbarrier.arrive $0xFFFF;
	s2 =	simm.s32 @!p0 $0x1C01  }
0x82: {  	[timem:s3], [sflag:s2] =	dma.local @!p0 [hbm:s0], s1  }
0x83: {  	s0 =	simm.s32 @!p0 $0x1  }
0x84: {  	_ =	swait.ge @!p0 [sflag:s0], s1  }
0x85: {  	s1 =	ssub.s32 @!p0 $0x0, s1;
	[sflag:s0] =	ssyncset.done @!p0 $0x0  }
0x86: {  	[sflag:s0] =	ssyncadd.s32 @!p0 s1  }
0x87: {  	[bflag:$0x3] =	sbarrier.arrive $0xFFFF  }
0x88: {  	_ =	shalt  }

// kernel: kernel.8.cloned.1.call-start
scs
__scs_entry_jumppad:
0x0: {  	(pc) =	sbr.rel $0x88, $3  }
0x1: {  	(tag) =	ssettag $0x0;
	lr =	simm.s32 $0x1  }
0x2: {  	[smem:$0x3F9B] =	sst lr;
	_ =	strace $0xD0000000  }
0x3: {  	_ = 	snop  }
0x4: {  	_ = 	snop  }
0x5: {  	_ = 	snop  }
0x6: {  	_ = 	snop  }
0x7: {  	_ = 	snop  }
__scs_overlays_trampoline_lowered:
0x8: {  	[smem:$0x3FAA] =	sst s0  }
0x9: {  	[smem:$0x3FAB] =	sst s1  }
0xa: {  	[smem:$0x3FAC] =	sst s2  }
0xb: {  	[smem:$0x3FAD] =	sst s3  }
0xc: {  	[smem:$0x3FAE] =	sst s4  }
0xd: {  	[smem:$0x3FAF] =	sst s5  }
0xe: {  	[smem:$0x3FB0] =	sst s6  }
0xf: {  	[smem:$0x3FB1] =	sst s7  }
0x10: {  	[smem:$0x3FB2] =	sst s8  }
0x11: {  	[smem:$0x3FB3] =	sst s9;
	s0 =	simm.s32 @!p0 $0x0  }
0x12: {  	s1 =	sld [smem:$0x3F99];
	s0 =	simm.s32 @p0 $0x1  }
0x13: {  	[smem:$0x3FB4] =	sst s0;
	s0 =	simm.s32 @!p1 $0x0  }
0x14: {  	s2 =	sld [smem:$0x3F98];
	s0 =	simm.s32 @p1 $0x1  }
0x15: {  	[smem:$0x3FB5] =	sst s0;
	s0 =	simm.s32 @!p2 $0x0  }
0x16: {  	s3 =	sld [smem:$0x3FDB];
	s0 =	simm.s32 @p2 $0x1  }
0x17: {  	s4 =	simm.s32 $0x1BF5;
	[smem:$0x3FB7] =	sst s0  }
0x18: {  	s0 =	sld [smem:$0x3F9A];
	_ =	swait.ge [sflag:s4], $0x0  }
0x19: {  	s7 =	sld [smem:$0x3F9B]  }
0x1a: {  	s8 =	sadd.s32 $0xFFFFE003, lr  }
0x1b: {  	s9 =	sadd.s32 $0xFFFFFEF7, lr;
	s5 =	simm.s32 $0xFFFFFFFF;
	p2 =	slt.u32 s8, $0xFFFFF086  }
0x1c: {  	p1 =	slt.u32 s9, $0xF7A;
	s5 =	simm.s32 @!p2 $0x0  }
0x1d: {  	s5 =	simm.s32 @p1 $0x1;
	p0 =	seq.s32 s7, s2  }
0x1e: {  	s7 =	smul.u32 @!p0 $0xF7A, s2;
	p2 =	seq.s32 @!p0 s5, $0x0  }
0x1f: {  	s9 =	smul.u32 $0xF7A, s1;
	s8 =	simm.s32 @!p0 $0x1BF5;
	p2 =	por !p2, p0  }
0x20: {  	[sflag:s8] =	ssyncset.s32 @!p0 $0xFFFFF086;
	s6 =	sadd.s32 @!p0 s3, s7;
	s7 =	simm.s32 @!p0 $0x108  }
0x21: {  	s3 =	sadd.s32 s3, s9;
	s6 =	sadd.s32 @!p0 $0x88, s6;
	s7 =	simm.s32 @p2 $0x1082  }
0x22: {  	[simem:s7], [sflag:s8] =	dma.local @!p0 [hbm:s6], $0xF7A  }
0x23: {  	s9 =	sor.u32 $0xD0000000, s2;
	s6 =	simm.s32 $0x108;
	_ =	swait.ge @!p0 [sflag:s8], $0x0  }
0x24: {  	s3 =	sadd.s32 $0x88, s3;
	s6 =	simm.s32 @!p1 $0x1082;
	[sflag:s4] =	ssyncset.s32 $0xFFFFF086  }
0x25: {  	[simem:s6], [sflag:s4] =	dma.local [hbm:s3], $0xF7A  }
0x26: {  	[smem:$0x3F9B] =	sst s1;
	(tag) =	ssettag s2;
	_ =	strace s9  }
0x27: {  	s1 =	sld [smem:$0x3FAB]  }
0x28: {  	s2 =	sld [smem:$0x3FAC]  }
0x29: {  	s4 =	sld [smem:$0x3FAE]  }
0x2a: {  	p0 =	seq.s32 s5, $0x0;
	s5 =	sld [smem:$0x3FAF]  }
0x2b: {  	s6 =	sld [smem:$0x3FB0]  }
0x2c: {  	s7 =	sld [smem:$0x3FB1]  }
0x2d: {  	s3 =	simm.s32 $0x108;
	s8 =	sld [smem:$0x3FB2]  }
0x2e: {  	s3 =	simm.s32 @!p0 $0x1082;
	s9 =	sld [smem:$0x3FB3]  }
0x2f: {  	lr =	sadd.s32 s0, s3;
	s0 =	sld [smem:$0x3FAA]  }
0x30: {  	s3 =	sld [smem:$0x3FAD]  }
0x31: {  	[smem:$0x3FB6] =	sst s10  }
0x32: {  	s10 =	sld [smem:$0x3FB4];
	_ =	sdelay $0x3  }
0x33: {  	p0 =	seq.s32 s10, $0x1;
	s10 =	sld [smem:$0x3FB6];
	_ =	sdelay $0x3  }
0x34: {  	[smem:$0x3FB6] =	sst s10  }
0x35: {  	s10 =	sld [smem:$0x3FB5];
	_ =	sdelay $0x3  }
0x36: {  	p1 =	seq.s32 s10, $0x1;
	s10 =	sld [smem:$0x3FB6];
	_ =	sdelay $0x3  }
0x37: {  	[smem:$0x3FB6] =	sst s10  }
0x38: {  	s10 =	sld [smem:$0x3FB7]  }
0x39: {  	_ = 	snop;
	(pc) =	sbr.ind lr, $3  }
0x3a: {  	_ = 	snop  }
0x3b: {  	_ = 	snop  }
0x3c: {  	p2 =	seq.s32 s10, $0x1;
	s10 =	sld [smem:$0x3FB6]  }
0x3d: {  	_ =	shalt  }
0x3e: {  	_ =	shalt  }
0x3f: {  	_ =	shalt  }
0x40: {  	_ =	shalt  }
0x41: {  	_ =	shalt  }
0x42: {  	_ =	shalt  }
0x43: {  	_ =	shalt  }
0x44: {  	_ =	shalt  }
0x45: {  	_ =	shalt  }
0x46: {  	_ =	shalt  }
0x47: {  	_ =	shalt  }
0x48: {  	_ =	shalt  }
0x49: {  	_ =	shalt  }
0x4a: {  	_ =	shalt  }
0x4b: {  	_ =	shalt  }
0x4c: {  	_ =	shalt  }
0x4d: {  	_ =	shalt  }
0x4e: {  	_ =	shalt  }
0x4f: {  	_ =	shalt  }
0x50: {  	_ =	shalt  }
0x51: {  	_ =	shalt  }
0x52: {  	_ =	shalt  }
0x53: {  	_ =	shalt  }
0x54: {  	_ =	shalt  }
0x55: {  	_ =	shalt  }
0x56: {  	_ =	shalt  }
0x57: {  	_ =	shalt  }
0x58: {  	_ =	shalt  }
0x59: {  	_ =	shalt  }
0x5a: {  	_ =	shalt  }
0x5b: {  	_ =	shalt  }
0x5c: {  	_ =	shalt  }
0x5d: {  	_ =	shalt  }
0x5e: {  	_ =	shalt  }
0x5f: {  	_ =	shalt  }
0x60: {  	_ =	shalt  }
0x61: {  	_ =	shalt  }
0x62: {  	_ =	shalt  }
0x63: {  	_ =	shalt  }
0x64: {  	_ =	shalt  }
0x65: {  	_ =	shalt  }
0x66: {  	_ =	shalt  }
0x67: {  	_ =	shalt  }
0x68: {  	_ =	shalt  }
0x69: {  	_ =	shalt  }
0x6a: {  	_ =	shalt  }
0x6b: {  	_ =	shalt  }
0x6c: {  	_ =	shalt  }
0x6d: {  	_ =	shalt  }
0x6e: {  	_ =	shalt  }
0x6f: {  	_ =	shalt  }
0x70: {  	_ =	shalt  }
0x71: {  	_ =	shalt  }
0x72: {  	_ =	shalt  }
0x73: {  	_ =	shalt  }
0x74: {  	_ =	shalt  }
0x75: {  	_ =	shalt  }
0x76: {  	_ =	shalt  }
0x77: {  	_ =	shalt  }
0x78: {  	_ =	shalt  }
0x79: {  	_ =	shalt  }
0x7a: {  	_ =	shalt  }
0x7b: {  	_ =	shalt  }
0x7c: {  	_ =	shalt  }
0x7d: {  	_ =	shalt  }
0x7e: {  	_ =	shalt  }
0x7f: {  	_ =	shalt  }
0x80: {  	_ =	shalt  }
0x81: {  	_ =	shalt  }
0x82: {  	_ =	shalt  }
0x83: {  	_ =	shalt  }
0x84: {  	_ =	shalt  }
0x85: {  	_ =	shalt  }
0x86: {  	_ =	shalt  }
0x87: {  	_ =	shalt  }
.Lfunc_end0:
.L_simem_size_0:
called_computation_lowered:
.L_overlay_start_0:
0x88: {  	s2 =	sld [smem:$0x3FD9]  }
0x89: {  	s3 =	sld [smem:$0x3FFE];
	_ =	sdelay $0x1  }
0x8a: {  	s1 =	srdreg.scid  }
0x8b: {  	s0 =	sand.u32 $0x1, s1  }
0x8c: {  	s17 =	sshll.u32 s0, $0xA;
	s2 =	sadd.s32 s3, s2  }
0x8d: {  	s2 =	sadd.s32 s2, s17  }
0x8e: {  	[smem:$0x3FC2] =	sst s2  }
0x8f: {  	_ = 	snop  }
0x90: {  	s2 =	sld [smem:$0x3FD0];
	(tm) =	ssettm $0x1  }
0x91: {  	s18 =	sld [smem:$0x3FFB];
	_ =	sdelay $0x3  }
0x92: {  	_ =	strace s18  }
0x93: {  	s3 =	sld [smem:$0x3FFC];
	_ =	sdelay $0x3  }
0x94: {  	_ =	strace s3  }
0x95: {  	s3 =	sld [smem:$0x3FFD];
	_ =	sdelay $0x3  }
0x96: {  	_ =	strace s3  }
0x97: {  	_ =	strace $0x8FFFFFFF  }
0x98: {  	s19 =	sld [smem:$0x3FDB];
	_ =	sdelay $0x1  }
0x99: {  	s4 =	simm.s32 $_scs_section_size  }
0x9a: {  	s5 =	simm.s32 $_size__tile_overlayer_lowered;
	s6 =	simm.s32 $_tile_overlayer_lowered  }
0x9b: {  	s22 =	simm.s32 $0x1BFF;
	s21 =	sshll.u32 s6, $0x1;
	s3 =	sadd.s32 s4, s19  }
0x9c: {  	s7 =	simm.s32 $0x0;
	s20 =	sshll.u32 s5, $0x1;
	s5 =	sadd.s32 s21, s3  }
0x9d: {  	[timem:s7], [sflag:s22] =	dma.local [hbm:s5], s20  }
0x9e: {  	_ =	swait.ge [sflag:s22], s20  }
0x9f: {  	s4 =	ssub.s32 $0x0, s20;
	[sflag:s22] =	ssyncset.done $0x0  }
0xa0: {  	[sflag:s22] =	ssyncadd.s32 s4;
	_ =	sdelay $0x1  }
0xa1: {  	s23 =	simm.s32 $0x1B8B  }
0xa2: {  	_ =	swait.ge [sflag:s23], $0x1  }
0xa3: {  	[sflag:s23] =	ssyncset.done $0x0  }
0xa4: {  	s25 =	simm.s32 $0x1B8E;
	s24 =	sld [smem:$0x3FFE];
	[sflag:s23] =	ssyncadd.s32 $0xFFFFFFFF  }
0xa5: {  	s26 =	simm.s32 $execute0_lowered;
	[smem:$0x3FD2] =	sst s25  }
0xa6: {  	s5 =	sshll.u32 s26, $0x1;
	_ =	strace $0x80000046;
	[dreg:$0x1] =	wrdreg $0xFFFFFFFF  }
0xa7: {  	s28 =	simm.s32 $_size_execute0_lowered;
	s3 =	sadd.s32 s3, s5;
	[dreg:$0x0] =	wrdreg $0x0  }
0xa8: {  	s5 =	sshll.u32 s28, $0x1;
	[dreg:$0x2] =	wrdreg s3  }
0xa9: {  	[dreg:$0x3] =	wrdreg s5  }
0xaa: {  	[dreg:$0x4] =	wrdreg $0xC0  }
0xab: {  	_ =	task [dreg:s7], $0x5FFFF  }
0xac: {  	[dreg:$0x1] =	wrdreg $0xFFFFFFFF  }
0xad: {  	[dreg:$0x0] =	wrdreg $0x60  }
0xae: {  	[dreg:$0x2] =	wrdreg s24  }
0xaf: {  	[dreg:$0x3] =	wrdreg s2  }
0xb0: {  	[dreg:$0x4] =	wrdreg $0x3800  }
0xb1: {  	[dreg:$0x5] =	wrdreg $0x9  }
0xb2: {  	_ =	task.clear_ibuf [dreg:s7], $0x6FFFF;
	_ =	strace $0x90000046  }
0xb3: {  	s29 =	simm.s32 $0x9;
	_ =	strace $0x80000048  }
0xb4: {  	_ =	swait.ge [sflag:s29], $0x1  }
0xb5: {  	[sflag:s29] =	ssyncadd.s32 $0xFFFFFFFF  }
0xb6: {  	_ =	strace $0x90000048  }
0xb7: {  	_ =	sfence  }
0xb8: {  	s30 =	sld [smem:$0x0];
	_ =	sdelay $0x2  }
0xb9: {  	s31 =	sshll.u32 s1, $0xD;
	s1 =	sshrl.u32 s1, $0x2  }
0xba: {  	s3 =	sand.u32 $0x4000, s31;
	s1 =	sadd.s32 s1, s30  }
0xbb: {  	s0 =	sor.u32 s3, s0;
	s1 =	sshll.u32 s1, $0x11  }
0xbc: {  	s0 =	sor.u32 s1, s0  }
0xbd: {  	s0 =	sadd.s32 $0x8F2B, s0  }
0xbe: {  	[sflag:s0] =	ssyncadd.remote.s32 $0x1  }
0xbf: {  	_ =	sfence.sel $0xFFFF  }
0xc0: {  	[dreg:$0x0] =	wrdreg $0xFFFFFFFF;
	(pc) =	sbr.abs _section_cstart, $3  }
0xc1: {  	[dreg:$0x1] =	wrdreg $0xFFFFFFFF  }
0xc2: {  	_ =	task.clear_ibuf [dreg:s7], $0x2FFFF;
	_ =	strace $0x9FFFFFFF  }
0xc3: {  	(tm) =	ssettm $0x7FFFFFFF  }
tec
execute0_lowered:
.L_overlay_start_1:
0x0: {  	(tag) =	ssettag $0x1  }
0x1: {  	s4 =	rddreg [dreg:$0x0]  }
0x2: {  	s5 =	rddreg [dreg:$0x1];
	s1 =	srdreg.scid  }
0x3: {  	s0 =	stileid.u32;
	s2 =	rddreg [dreg:$0x2]  }
0x4: {  	s3 =	simm.s32 $0x0;
	s11 =	simm.s32 $0x80;
	s14 =	simm.s32 $0x20  }
0x5: {  	s15 =	simm.s32 $0x10;
	s16 =	simm.s32 $0x0;
	s7 =	smul.u32 $0x4E20, s0  }
0x6: {  	s6 =	sand.u32 $0x1, s1;
	s1 =	rddreg [dreg:$0x3];
	s28 =	smul.u32 $0x500, s0  }
0x7: {  	[smem:$0x7FF] =	sst s3;
	s9 =	smul.u32 $0xA00, s0;
	s12 =	sshll.u32 s0, $0x6  }
0x8: {  	s8 =	smul.u32 $0x2710, s6;
	_ =	strace $0x80000047;
	s10 =	sshll.u32 s6, $0x7  }
0x9: {  	s29 =	ssub.s32 $0x2, s6;
	s12 =	sor.u32 $0x1C01, s12;
	s30 =	sor.u32 s10, s28  }
0xa: {  	s31 =	sshrl.u32 s29, $0x1;
	s9 =	sshrl.u32 s9, $0x2;
	s10 =	simm.s32 $0x50  }
0xb: {  	s7 =	sadd.s32 s8, s7;
	s6 =	sshrl.u32 s30, $0x3;
	s8 =	ssub.s32 s29, s31  }
0xc: {  	s7 =	sshrl.u32 s7, $0x3;
	s5 =	sadd.s32 s5, s6;
	s6 =	smax.u32 s8, $0x1  }
0xd: {  	s8 =	simm.s32 $0x100;
	s7 =	sadd.s32 s7, s4;
	s4 =	sadd.s32 s9, s2  }
0xe: {  	v0 =	vimm.f32 $1.000000000e+00;
	v1 =	vimm.f32 $0.0e+00;
	s9 =	simm.s32 $0x1;
	s7 =	sadd.s32 $0xC200, s7;
	s13 =	sshrl.u32 s4, $0x3  }
.LBB2_1:
0xf: {  	[tilespmem:$0x80] =	vst v0  }
0x10: {  	[tilespmem:$0x90] =	vst v0  }
0x11: {  	[tilespmem:$0xA0] =	vst v0  }
0x12: {  	[tilespmem:$0xB0] =	vst v0  }
0x13: {  	[tilespmem:$0xC0] =	vst v0  }
0x14: {  	[tilespmem:$0x100] =	vst v1  }
0x15: {  	[tilespmem:$0x110] =	vst v1  }
0x16: {  	[tilespmem:$0x120] =	vst v1  }
0x17: {  	[tilespmem:$0x130] =	vst v1  }
0x18: {  	[tilespmem:$0x140] =	vst v1  }
0x19: {  	[tilespmem:$0x150] =	vst v1  }
0x1a: {  	[tilespmem:$0x160] =	vst v1  }
0x1b: {  	[tilespmem:$0x170] =	vst v1  }
0x1c: {  	[tilespmem:$0x180] =	vst v1  }
0x1d: {  	[tilespmem:$0x190] =	vst v1  }
0x1e: {  	[tilespmem:$0x1A0] =	vst v1  }
0x1f: {  	[tilespmem:$0x1B0] =	vst v1  }
0x20: {  	[tilespmem:$0x1C0] =	vst v1  }
0x21: {  	[tilespmem:$0x1D0] =	vst v1  }
0x22: {  	[tilespmem:$0x1E0] =	vst v1  }
0x23: {  	[tilespmem:$0x1F0] =	vst v1  }
0x24: {  	[tilespmem:$0x200] =	vst v1  }
0x25: {  	[tilespmem:$0x210] =	vst v1  }
0x26: {  	[tilespmem:$0x220] =	vst v1  }
0x27: {  	[tilespmem:$0x230] =	vst v1  }
0x28: {  	[tilespmem:$0x240] =	vst v1  }
0x29: {  	[tilespmem:$0x250] =	vst v1  }
0x2a: {  	[tilespmem:$0x260] =	vst v1  }
0x2b: {  	[tilespmem:$0x270] =	vst v1  }
0x2c: {  	[tilespmem:$0x280] =	vst v1  }
0x2d: {  	[tilespmem:$0x290] =	vst v1  }
0x2e: {  	[tilespmem:$0x2A0] =	vst v1  }
0x2f: {  	[tilespmem:$0x2B0] =	vst v1  }
0x30: {  	[tilespmem:$0x2C0] =	vst v1  }
0x31: {  	[tilespmem:$0x2D0] =	vst v1  }
0x32: {  	[tilespmem:$0x2E0] =	vst v1  }
0x33: {  	[tilespmem:$0x2F0] =	vst v1  }
0x34: {  	[tilespmem:$0x300] =	vst v1  }
0x35: {  	[tilespmem:$0x310] =	vst v1  }
0x36: {  	[tilespmem:$0x320] =	vst v1  }
0x37: {  	[tilespmem:$0x330] =	vst v1  }
0x38: {  	[tilespmem:$0x340] =	vst v1  }
0x39: {  	[tilespmem:$0x350] =	vst v1  }
0x3a: {  	[tilespmem:$0x360] =	vst v1  }
0x3b: {  	[tilespmem:$0x370] =	vst v1  }
0x3c: {  	[spmem:s4] =	stream.linear.scatter [tilespmem:s8], [sflag:$0x1], $0x280, $0x38;
	[tilespmem:$0x600] =	vst v63  }
0x3d: {  	_ =	swait.ge [sflag:s9], $0x280  }
0x3e: {  	[sflag:s9] =	ssyncset.done $0x0  }
0x3f: {  	[sflag:s9] =	ssyncadd.s32 $0xFFFFFD80  }
0x40: {  	s17 =	sadd.s32 $0x0, s7;
	[bflag:$0x0] =	sbarrier.arrive $0xFFFF  }
0x41: {  	[tilespmem:s3], [sflag:$0x1] =	stream.linear.gather [hbm4b:s17+s3], $0x50, $0x38;
	[tilespmem:$0x600] =	vst v63  }
0x42: {  	_ =	swait.ge [sflag:s9], $0x50  }
0x43: {  	[sflag:s9] =	ssyncset.done $0x0  }
0x44: {  	[sflag:s9] =	ssyncadd.s32 $0xFFFFFFB0  }
0x45: {  	[spmem:s2] =	stream.indirect.scatter.add.f32 [tilespmem:s11], [sflag:$0x1], $0x1, s3, s10, $0xb8;
	[tilespmem:$0x600] =	vst v63  }
0x46: {  	_ =	swait.ge [sflag:s9], $0x50  }
0x47: {  	s18 =	simm.s32 $0x14;
	s17 =	simm.s32 $0xA;
	[sflag:s9] =	ssyncset.done $0x0  }
.LBB2_2:
0x48: {  	s19 =	sadd.s32 s17, s7  }
0x49: {  	[sflag:s9] =	ssyncadd.s32 $0xFFFFFFB0;
	s17 =	smov.u32 s18;
	s20 =	sadd.s32 $0xA, s18  }
0x4a: {  	[tilespmem:s3], [sflag:$0x1] =	stream.linear.gather [hbm4b:s19+s3], $0x50, $0x38;
	[tilespmem:$0x600] =	vst v63  }
0x4b: {  	p0 =	sne.s32 s18, $0x4D8;
	_ =	swait.ge [sflag:s9], $0x50  }
.Ltmp0:
0x4c: {  	[sflag:s9] =	ssyncset.done $0x0;
	(pc) =	sbr.rel @p0 .LBB2_2-.Ltmp0, $4  }
0x4d: {  	[sflag:s9] =	ssyncadd.s32 $0xFFFFFFB0  }
0x4e: {  	[spmem:s2] =	stream.indirect.scatter.add.f32 [tilespmem:s11], [sflag:$0x1], $0x1, s3, s10, $0xb8;
	[tilespmem:$0x600] =	vst v63  }
0x4f: {  	_ =	swait.ge [sflag:s9], $0x50  }
0x50: {  	s18 =	smov.u32 s20;
	[sflag:s9] =	ssyncset.done $0x0  }
0x51: {  	s17 =	sadd.s32 s17, s7;
	[sflag:s9] =	ssyncadd.s32 $0xFFFFFFB0  }
0x52: {  	[tilespmem:s3], [sflag:$0x1] =	stream.linear.gather [hbm4b:s17+s3], $0x50, $0x38;
	[tilespmem:$0x600] =	vst v63  }
0x53: {  	_ =	swait.ge [sflag:s9], $0x50  }
0x54: {  	[sflag:s9] =	ssyncset.done $0x0  }
0x55: {  	[sflag:s9] =	ssyncadd.s32 $0xFFFFFFB0  }
0x56: {  	[spmem:s2] =	stream.indirect.scatter.add.f32 [tilespmem:s11], [sflag:$0x1], $0x1, s3, s10, $0xb8;
	[tilespmem:$0x600] =	vst v63  }
0x57: {  	_ =	swait.ge [sflag:s9], $0x50  }
0x58: {  	s16 =	sadd.s32 $0x1, s16;
	[sflag:s9] =	ssyncset.done $0x0  }
0x59: {  	p0 =	sne.s32 s16, s6;
	[sflag:s9] =	ssyncadd.s32 $0xFFFFFFB0  }
.Ltmp1:
0x5a: {  	[bflag:$0x0] =	sbarrier.arrive $0xFFFF;
	(pc) =	sbr.rel @p0 .LBB2_1-.Ltmp1, $4  }
0x5b: {  	[hbm:s5@s14], [sflag:s12] =	dma.strided [spmem:s13@s15], $0x50, s9, $0x10   }
0x5c: {  	_ =	swait.ge [sflag:s9], $0x50  }
0x5d: {  	[sflag:s9] =	ssyncset.done $0x0  }
0x5e: {  	[sflag:s9] =	ssyncadd.s32 $0xFFFFFFB0  }
0x5f: {  	_ =	sfence.sel $0x180000  }
0x60: {  	[bflag:$0x0] =	sbarrier.arrive $0xFFFF  }
0x61: {  	p0 =	sne.s32 s0, $0x0;
	_ =	strace $0x90000047  }
0x62: {  	s0 =	sadd.s32 @!p0 $0x100000, s1;
	[bflag:$0x2] =	sbarrier.arrive $0xFFFF  }
0x63: {  	[sflag:s0] =	ssyncadd.tile.s32 @!p0 $0x1;
	_ =	shalt  }
.Lfunc_end2:
_tile_overlayer_lowered:
.L_overlay_start_2:
0x64: {  	(tag) =	ssettag $0x2  }
0x65: {  	s0 =	rddreg [dreg:$0x0];
	s2 =	stileid.u32  }
0x66: {  	s1 =	rddreg [dreg:$0x1];
	p0 =	sne.s32 s2, $0x0  }
0x67: {  	s3 =	rddreg [dreg:$0x2];
	[bflag:$0x3] =	sbarrier.arrive $0xFFFF;
	s2 =	simm.s32 @!p0 $0x1C01  }
0x68: {  	[timem:s3], [sflag:s2] =	dma.local @!p0 [hbm:s0], s1  }
0x69: {  	s0 =	simm.s32 @!p0 $0x1  }
0x6a: {  	_ =	swait.ge @!p0 [sflag:s0], s1  }
0x6b: {  	s1 =	ssub.s32 @!p0 $0x0, s1;
	[sflag:s0] =	ssyncset.done @!p0 $0x0  }
0x6c: {  	[sflag:s0] =	ssyncadd.s32 @!p0 s1  }
0x6d: {  	[bflag:$0x3] =	sbarrier.arrive $0xFFFF  }
0x6e: {  	_ =	shalt  }

</sc_bundles>
